<compile_context>
chip_gen: v7x
topology: tpu7x:2x2x1
jax: 0.10.2.dev20260603
libtpu: 0.0.44.dev20260713+nightly
codegen_flags: <defaults>
</compile_context>

<pallas_src>
import functools

import jax
import jax.numpy as jnp
from jax import lax
from jax.experimental import pallas as pl
from jax.experimental.pallas import tpu as pltpu
from jax.experimental.pallas import tpu_sc as plsc

_TOP_K = 5


def _normalize_body(mem_ref, out_ref):
    x = mem_ref[...]
    n = jnp.sqrt(jnp.sum(x * x, axis=1, keepdims=True))
    out_ref[...] = x / jnp.maximum(n, 1e-12)


def _normalize_mem(memory):
    m, d = memory.shape
    blk = 512
    return pl.pallas_call(
        _normalize_body,
        grid=(m // blk,),
        in_specs=[pl.BlockSpec((blk, d), lambda i: (i, 0))],
        out_specs=pl.BlockSpec((blk, d), lambda i: (i, 0)),
        out_shape=jax.ShapeDtypeStruct((m, d), jnp.float32),
    )(memory)


def _topk_body(enc_ref, memn_ref, idx_ref, *, k):
    e = enc_ref[...]
    n = jnp.sqrt(jnp.sum(e * e, axis=1, keepdims=True))
    e = e / jnp.maximum(n, 1e-12)
    scores = lax.dot_general(
        e, memn_ref[...],
        (((1,), (1,)), ((), ())),
        preferred_element_type=jnp.float32,
    )
    q, m = scores.shape
    iota = lax.broadcasted_iota(jnp.int32, (q, m), 1)
    s = scores
    cols = []
    for _ in range(k):
        mx = jnp.max(s, axis=1, keepdims=True)
        idx = jnp.min(jnp.where(s == mx, iota, jnp.int32(m)), axis=1,
                      keepdims=True)
        cols.append(idx)
        s = jnp.where(iota == idx, -jnp.inf, s)
    idx_ref[...] = jnp.concatenate(cols, axis=1)


def _topk_indices(enc2, memn, k):
    q, d = enc2.shape
    m = memn.shape[0]
    qblk = 256
    return pl.pallas_call(
        functools.partial(_topk_body, k=k),
        grid=(q // qblk,),
        in_specs=[
            pl.BlockSpec((qblk, d), lambda i: (i, 0)),
            pl.BlockSpec((m, d), lambda i: (0, 0)),
        ],
        out_specs=pl.BlockSpec((qblk, k), lambda i: (i, 0)),
        out_shape=jax.ShapeDtypeStruct((q, k), jnp.int32),
    )(enc2, memn)


def _sc_gather_mean(memory, idx_flat, enc2, k):
    q, d = enc2.shape
    info = plsc.get_sparse_core_info()
    nc, ns = info.num_cores, info.num_subcores
    nw = nc * ns
    qpw = q // nw
    cq = 8
    rows = cq * k
    nchunk = qpw // cq
    dchunks = d // 16

    mesh = plsc.VectorSubcoreMesh(core_axis_name="c", subcore_axis_name="s")

    @functools.partial(
        pl.kernel,
        mesh=mesh,
        out_type=jax.ShapeDtypeStruct((q, d), jnp.float32),
        scratch_types=[
            pltpu.VMEM((rows,), jnp.int32),
            pltpu.VMEM((rows, d), jnp.float32),
            pltpu.VMEM((cq, d), jnp.float32),
            pltpu.VMEM((cq, d), jnp.float32),
            pltpu.SemaphoreType.DMA,
        ],
    )
    def sc_kernel(mem_hbm, idx_hbm, enc_hbm, out_hbm,
                  idx_v, rows_v, enc_v, out_v, sem):
        wid = lax.axis_index("s") * nc + lax.axis_index("c")
        base_q = wid * qpw

        def chunk_body(c, carry):
            q0 = base_q + c * cq
            pltpu.sync_copy(idx_hbm.at[pl.ds(q0 * k, rows)], idx_v)
            pltpu.async_copy(mem_hbm.at[idx_v], rows_v, sem).wait()
            pltpu.sync_copy(enc_hbm.at[pl.ds(q0, cq)], enc_v)

            def d_body(dc, carry2):
                off = dc * 16
                for qq in range(cq):
                    acc = rows_v[qq * k, pl.ds(off, 16)]
                    for j in range(1, k):
                        acc = acc + rows_v[qq * k + j, pl.ds(off, 16)]
                    out_v[qq, pl.ds(off, 16)] = (
                        enc_v[qq, pl.ds(off, 16)] + acc * (1.0 / k))
                return carry2

            lax.fori_loop(0, dchunks, d_body, 0)
            pltpu.sync_copy(out_v, out_hbm.at[pl.ds(q0, cq)])
            return carry

        lax.fori_loop(0, nchunk, chunk_body, 0)

    return sc_kernel(memory, idx_flat, enc2)


def kernel(encoded, memory):
    b, l, d = encoded.shape
    enc2 = encoded.reshape(b * l, d)
    memn = _normalize_mem(memory)
    idx = _topk_indices(enc2, memn, _TOP_K)
    out = _sc_gather_mean(memory, idx.reshape(-1), enc2, _TOP_K)
    return out.reshape(b, l, d)

# --- scband reference (transcript-rebuilt; emitter-appended) ---
"""Pipeline reference for scband-lmm-13134009991698 (READ-ONLY COPY).

The authoritative reference and input builder live on the scoring server;
editing this copy changes nothing except your own understanding.
"""

import jax, jax.numpy as jnp
import numpy as np

D_MODEL = 1024
TOP_K = 5


def _l2_normalize(x, eps=1e-12):
    n = jnp.linalg.norm(x, ord=2, axis=-1, keepdims=True)
    return x / jnp.maximum(n, eps)


def setup_inputs(seed: int = 0) -> dict:
    key = jax.random.key(seed)
    k1, k2 = jax.random.split(key)
    encoded = jax.random.normal(k1, (2, 2048, 1024), dtype=jnp.float32)
    memory = jax.random.normal(k2, (4096, 1024), dtype=jnp.float32)
    return {"encoded": encoded, "memory": memory}


def reference(encoded, memory):
    B, L, D = encoded.shape
    if memory.ndim == 2:
        mem = jnp.broadcast_to(memory[None, :, :], (B, memory.shape[0], memory.shape[1]))
    else:
        mem = memory
    M = mem.shape[1]
    k = min(TOP_K, M)
    encoded_norm = _l2_normalize(encoded)
    memory_norm = _l2_normalize(mem)
    similarity = jnp.einsum('bld,bmd->blm', encoded_norm, memory_norm)
    top_k_vals, top_k_idx = jax.lax.top_k(similarity, k)  # [B, L, k]
    # gather selected memory rows per (batch, position): [B, L, k, D]
    selected_mem = jax.vmap(lambda m, i: m[i])(mem, top_k_idx)
    matched = selected_mem.mean(axis=2)  # [B, L, D]
    enhanced = encoded + matched
    return enhanced

if __name__ == "__main__":
    import jax
    _d = setup_inputs()
    print(jax.jit(kernel)(*tuple(_d.values())))

</pallas_src>

<mosaic_0001>
#map = affine_map<(d0, d1) -> (0, 0)>
#map1 = affine_map<(d0, d1) -> (0)>
module attributes {stable_mosaic.version = 14 : i64} {
  func.func @sc_kernel(%arg0: i32, %arg1: i32, %arg2: memref<4096x1024xf32, #tpu.memory_space<hbm>>, %arg3: memref<20480xi32, #tpu.memory_space<hbm>>, %arg4: memref<4096x1024xf32, #tpu.memory_space<hbm>>, %arg5: memref<4096x1024xf32, #tpu.memory_space<hbm>>, %arg6: memref<40xi32, #tpu.memory_space<vmem>>, %arg7: memref<40x1024xf32, #tpu.memory_space<vmem>>, %arg8: memref<8x1024xf32, #tpu.memory_space<vmem>>, %arg9: memref<8x1024xf32, #tpu.memory_space<vmem>>, %arg10: memref<!tpu.dma_semaphore, #tpu.memory_space<semaphore_mem>>) attributes {dimension_semantics = [#tpu.dimension_semantics<core_parallel>, #tpu.dimension_semantics<subcore_parallel>], iteration_bounds = array<i64: 2, 16>, scalar_prefetch = 0 : i64, scratch_operands = 5 : i64, tpu.core_type = #tpu.core_type<sc_vector_subcore>, window_params = [{transform_indices = #map}, {transform_indices = #map1}, {transform_indices = #map}, {transform_indices = #map}]} {
    %mul3A = arith.constant 2 : i32
    %mul3A_0 = arith.muli %arg1, %mul3A : i32
    %add3A = arith.addi %mul3A_0, %arg0 : i32
    %mul3A_1 = arith.constant 128 : i32
    %mul3A_2 = arith.muli %add3A, %mul3A_1 : i32
    %scan3A = arith.constant 0 : i32
    %scan3A_3 = arith.constant 0 : i32
    %scan3A_4 = arith.constant 16 : i32
    %scan3A_5 = arith.addi %scan3A_3, %scan3A_4 : i32
    %scan3A_6 = arith.constant 1 : i32
    scf.for %scan3A_8 = %scan3A_3 to %scan3A_5 step %scan3A_6  : i32 {
      %mul3A_9 = arith.constant 8 : i32
      %mul3A_10 = arith.muli %scan3A_8, %mul3A_9 : i32
      %add3A_11 = arith.addi %mul3A_2, %mul3A_10 : i32
      %mul3A_12 = arith.constant 5 : i32
      %mul3A_13 = arith.muli %add3A_11, %mul3A_12 : i32
      "tpu.region"() ({
        %run_scoped3A = tpu.sem_alloc : memref<!tpu.dma_semaphore, #tpu.memory_space<semaphore_mem>>
        %dma_start3A_24 = tpu.memref_slice %arg3[%mul3A_13] : memref<20480xi32, #tpu.memory_space<hbm>> -> memref<40xi32, #tpu.memory_space<hbm>>
        %dma_start3A_25 = tpu.memref_slice %arg3[%mul3A_13] : memref<20480xi32, #tpu.memory_space<hbm>> -> memref<40xi32, #tpu.memory_space<hbm>>
        tpu.enqueue_dma source(%dma_start3A_25 : memref<40xi32, #tpu.memory_space<hbm>>) target(%arg6 : memref<40xi32, #tpu.memory_space<vmem>>) target_semaphore(%run_scoped3A : memref<!tpu.dma_semaphore, #tpu.memory_space<semaphore_mem>>)
        %dma_wait3A_26 = tpu.memref_slice %arg3[%mul3A_13] : memref<20480xi32, #tpu.memory_space<hbm>> -> memref<40xi32, #tpu.memory_space<hbm>>
        %dma_wait3A_27 = tpu.memref_slice %arg3[%mul3A_13] : memref<20480xi32, #tpu.memory_space<hbm>> -> memref<40xi32, #tpu.memory_space<hbm>>
        tpu.wait_dma2 semaphore(%run_scoped3A : memref<!tpu.dma_semaphore, #tpu.memory_space<semaphore_mem>>) src(%dma_wait3A_27 : memref<40xi32, #tpu.memory_space<hbm>>) dst(%arg6 : memref<40xi32, #tpu.memory_space<vmem>>)
        tpu.yield
      }) : () -> ()
      %dma_start3A = arith.constant 0 : i32
      %dma_start3A_14 = arith.constant 0 : i32
      %dma_start3A_15 = tpu.memref_slice %arg2[%dma_start3A, %dma_start3A_14] : memref<4096x1024xf32, #tpu.memory_space<hbm>> -> memref<4096x1024xf32, #tpu.memory_space<hbm>>
      tpu.enqueue_indirect_dma source(%dma_start3A_15 : memref<4096x1024xf32, #tpu.memory_space<hbm>>) target(%arg7 : memref<40x1024xf32, #tpu.memory_space<vmem>>) offsets(%arg6 : memref<40xi32, #tpu.memory_space<vmem>>) semaphore(%arg10 : memref<!tpu.dma_semaphore, #tpu.memory_space<semaphore_mem>>)
      %dma_wait3A = arith.constant 0 : i32
      %dma_wait3A_16 = arith.constant 0 : i32
      %dma_wait3A_17 = tpu.memref_slice %arg2[%dma_wait3A, %dma_wait3A_16] : memref<4096x1024xf32, #tpu.memory_space<hbm>> -> memref<4096x1024xf32, #tpu.memory_space<hbm>>
      tpu.wait_indirect_dma semaphore(%arg10 : memref<!tpu.dma_semaphore, #tpu.memory_space<semaphore_mem>>) src(%dma_wait3A_17 : memref<4096x1024xf32, #tpu.memory_space<hbm>>) dst(%arg7 : memref<40x1024xf32, #tpu.memory_space<vmem>>)
      "tpu.region"() ({
        %run_scoped3A = tpu.sem_alloc : memref<!tpu.dma_semaphore, #tpu.memory_space<semaphore_mem>>
        %dma_start3A_24 = arith.constant 0 : i32
        %dma_start3A_25 = tpu.memref_slice %arg4[%add3A_11, %dma_start3A_24] : memref<4096x1024xf32, #tpu.memory_space<hbm>> -> memref<8x1024xf32, #tpu.memory_space<hbm>>
        %dma_start3A_26 = arith.constant 0 : i32
        %dma_start3A_27 = tpu.memref_slice %arg4[%add3A_11, %dma_start3A_26] : memref<4096x1024xf32, #tpu.memory_space<hbm>> -> memref<8x1024xf32, #tpu.memory_space<hbm>>
        tpu.enqueue_dma source(%dma_start3A_27 : memref<8x1024xf32, #tpu.memory_space<hbm>>) target(%arg8 : memref<8x1024xf32, #tpu.memory_space<vmem>>) target_semaphore(%run_scoped3A : memref<!tpu.dma_semaphore, #tpu.memory_space<semaphore_mem>>)
        %dma_wait3A_28 = arith.constant 0 : i32
        %dma_wait3A_29 = tpu.memref_slice %arg4[%add3A_11, %dma_wait3A_28] : memref<4096x1024xf32, #tpu.memory_space<hbm>> -> memref<8x1024xf32, #tpu.memory_space<hbm>>
        %dma_wait3A_30 = arith.constant 0 : i32
        %dma_wait3A_31 = tpu.memref_slice %arg4[%add3A_11, %dma_wait3A_30] : memref<4096x1024xf32, #tpu.memory_space<hbm>> -> memref<8x1024xf32, #tpu.memory_space<hbm>>
        tpu.wait_dma2 semaphore(%run_scoped3A : memref<!tpu.dma_semaphore, #tpu.memory_space<semaphore_mem>>) src(%dma_wait3A_31 : memref<8x1024xf32, #tpu.memory_space<hbm>>) dst(%arg8 : memref<8x1024xf32, #tpu.memory_space<vmem>>)
        tpu.yield
      }) : () -> ()
      %scan3A_18 = arith.constant 0 : i32
      %scan3A_19 = arith.constant 0 : i32
      %scan3A_20 = arith.constant 64 : i32
      %scan3A_21 = arith.addi %scan3A_19, %scan3A_20 : i32
      %scan3A_22 = arith.constant 1 : i32
      scf.for %scan3A_24 = %scan3A_19 to %scan3A_21 step %scan3A_22  : i32 {
        %mul3A_25 = arith.constant 16 : i32
        %mul3A_26 = arith.muli %scan3A_24, %mul3A_25 : i32
        %get3A = arith.constant 0 : i32
        %get3A_27 = arith.index_cast %get3A : i32 to index
        %get3A_28 = arith.index_cast %mul3A_26 : i32 to index
        %get3A_29 = tpu.vector_load %arg7[%get3A_27, %get3A_28] {strides = array<i32>} : memref<40x1024xf32, #tpu.memory_space<vmem>>, vector<1x16xf32>,
        %get3A_30 = vector.shape_cast %get3A_29 : vector<1x16xf32> to vector<16xf32>
        %get3A_31 = arith.constant 1 : i32
        %get3A_32 = arith.index_cast %get3A_31 : i32 to index
        %get3A_33 = arith.index_cast %mul3A_26 : i32 to index
        %get3A_34 = tpu.vector_load %arg7[%get3A_32, %get3A_33] {strides = array<i32>} : memref<40x1024xf32, #tpu.memory_space<vmem>>, vector<1x16xf32>,
        %get3A_35 = vector.shape_cast %get3A_34 : vector<1x16xf32> to vector<16xf32>
        %add3A_36 = arith.addf %get3A_30, %get3A_35 : vector<16xf32>
        %get3A_37 = arith.constant 2 : i32
        %get3A_38 = arith.index_cast %get3A_37 : i32 to index
        %get3A_39 = arith.index_cast %mul3A_26 : i32 to index
        %get3A_40 = tpu.vector_load %arg7[%get3A_38, %get3A_39] {strides = array<i32>} : memref<40x1024xf32, #tpu.memory_space<vmem>>, vector<1x16xf32>,
        %get3A_41 = vector.shape_cast %get3A_40 : vector<1x16xf32> to vector<16xf32>
        %add3A_42 = arith.addf %add3A_36, %get3A_41 : vector<16xf32>
        %get3A_43 = arith.constant 3 : i32
        %get3A_44 = arith.index_cast %get3A_43 : i32 to index
        %get3A_45 = arith.index_cast %mul3A_26 : i32 to index
        %get3A_46 = tpu.vector_load %arg7[%get3A_44, %get3A_45] {strides = array<i32>} : memref<40x1024xf32, #tpu.memory_space<vmem>>, vector<1x16xf32>,
        %get3A_47 = vector.shape_cast %get3A_46 : vector<1x16xf32> to vector<16xf32>
        %add3A_48 = arith.addf %add3A_42, %get3A_47 : vector<16xf32>
        %get3A_49 = arith.constant 4 : i32
        %get3A_50 = arith.index_cast %get3A_49 : i32 to index
        %get3A_51 = arith.index_cast %mul3A_26 : i32 to index
        %get3A_52 = tpu.vector_load %arg7[%get3A_50, %get3A_51] {strides = array<i32>} : memref<40x1024xf32, #tpu.memory_space<vmem>>, vector<1x16xf32>,
        %get3A_53 = vector.shape_cast %get3A_52 : vector<1x16xf32> to vector<16xf32>
        %add3A_54 = arith.addf %add3A_48, %get3A_53 : vector<16xf32>
        %get3A_55 = arith.constant 0 : i32
        %get3A_56 = arith.index_cast %get3A_55 : i32 to index
        %get3A_57 = arith.index_cast %mul3A_26 : i32 to index
        %get3A_58 = tpu.vector_load %arg8[%get3A_56, %get3A_57] {strides = array<i32>} : memref<8x1024xf32, #tpu.memory_space<vmem>>, vector<1x16xf32>,
        %get3A_59 = vector.shape_cast %get3A_58 : vector<1x16xf32> to vector<16xf32>
        %mul3A_60 = arith.constant 2.000000e-01 : f32
        %mul3A_61 = vector.broadcast %mul3A_60 : f32 to vector<16xf32>
        %mul3A_62 = arith.mulf %add3A_54, %mul3A_61 : vector<16xf32>
        %add3A_63 = arith.addf %get3A_59, %mul3A_62 : vector<16xf32>
        %swap3A = arith.constant 0 : i32
        %swap3A_64 = arith.index_cast %swap3A : i32 to index
        %swap3A_65 = arith.index_cast %mul3A_26 : i32 to index
        %swap3A_66 = tpu.vector_load %arg9[%swap3A_64, %swap3A_65] {strides = array<i32>} : memref<8x1024xf32, #tpu.memory_space<vmem>>, vector<1x16xf32>,
        %swap3A_67 = vector.shape_cast %swap3A_66 : vector<1x16xf32> to vector<16xf32>
        %swap3A_68 = vector.shape_cast %add3A_63 : vector<16xf32> to vector<1x16xf32>
        tpu.vector_store %arg9[%swap3A_64, %swap3A_65], %swap3A_68 {strides = array<i32>} : memref<8x1024xf32, #tpu.memory_space<vmem>>, vector<1x16xf32>,
        %get3A_69 = arith.constant 5 : i32
        %get3A_70 = arith.index_cast %get3A_69 : i32 to index
        %get3A_71 = arith.index_cast %mul3A_26 : i32 to index
        %get3A_72 = tpu.vector_load %arg7[%get3A_70, %get3A_71] {strides = array<i32>} : memref<40x1024xf32, #tpu.memory_space<vmem>>, vector<1x16xf32>,
        %get3A_73 = vector.shape_cast %get3A_72 : vector<1x16xf32> to vector<16xf32>
        %get3A_74 = arith.constant 6 : i32
        %get3A_75 = arith.index_cast %get3A_74 : i32 to index
        %get3A_76 = arith.index_cast %mul3A_26 : i32 to index
        %get3A_77 = tpu.vector_load %arg7[%get3A_75, %get3A_76] {strides = array<i32>} : memref<40x1024xf32, #tpu.memory_space<vmem>>, vector<1x16xf32>,
        %get3A_78 = vector.shape_cast %get3A_77 : vector<1x16xf32> to vector<16xf32>
        %add3A_79 = arith.addf %get3A_73, %get3A_78 : vector<16xf32>
        %get3A_80 = arith.constant 7 : i32
        %get3A_81 = arith.index_cast %get3A_80 : i32 to index
        %get3A_82 = arith.index_cast %mul3A_26 : i32 to index
        %get3A_83 = tpu.vector_load %arg7[%get3A_81, %get3A_82] {strides = array<i32>} : memref<40x1024xf32, #tpu.memory_space<vmem>>, vector<1x16xf32>,
        %get3A_84 = vector.shape_cast %get3A_83 : vector<1x16xf32> to vector<16xf32>
        %add3A_85 = arith.addf %add3A_79, %get3A_84 : vector<16xf32>
        %get3A_86 = arith.constant 8 : i32
        %get3A_87 = arith.index_cast %get3A_86 : i32 to index
        %get3A_88 = arith.index_cast %mul3A_26 : i32 to index
        %get3A_89 = tpu.vector_load %arg7[%get3A_87, %get3A_88] {strides = array<i32>} : memref<40x1024xf32, #tpu.memory_space<vmem>>, vector<1x16xf32>,
        %get3A_90 = vector.shape_cast %get3A_89 : vector<1x16xf32> to vector<16xf32>
        %add3A_91 = arith.addf %add3A_85, %get3A_90 : vector<16xf32>
        %get3A_92 = arith.constant 9 : i32
        %get3A_93 = arith.index_cast %get3A_92 : i32 to index
        %get3A_94 = arith.index_cast %mul3A_26 : i32 to index
        %get3A_95 = tpu.vector_load %arg7[%get3A_93, %get3A_94] {strides = array<i32>} : memref<40x1024xf32, #tpu.memory_space<vmem>>, vector<1x16xf32>,
        %get3A_96 = vector.shape_cast %get3A_95 : vector<1x16xf32> to vector<16xf32>
        %add3A_97 = arith.addf %add3A_91, %get3A_96 : vector<16xf32>
        %get3A_98 = arith.constant 1 : i32
        %get3A_99 = arith.index_cast %get3A_98 : i32 to index
        %get3A_100 = arith.index_cast %mul3A_26 : i32 to index
        %get3A_101 = tpu.vector_load %arg8[%get3A_99, %get3A_100] {strides = array<i32>} : memref<8x1024xf32, #tpu.memory_space<vmem>>, vector<1x16xf32>,
        %get3A_102 = vector.shape_cast %get3A_101 : vector<1x16xf32> to vector<16xf32>
        %mul3A_103 = arith.constant 2.000000e-01 : f32
        %mul3A_104 = vector.broadcast %mul3A_103 : f32 to vector<16xf32>
        %mul3A_105 = arith.mulf %add3A_97, %mul3A_104 : vector<16xf32>
        %add3A_106 = arith.addf %get3A_102, %mul3A_105 : vector<16xf32>
        %swap3A_107 = arith.constant 1 : i32
        %swap3A_108 = arith.index_cast %swap3A_107 : i32 to index
        %swap3A_109 = arith.index_cast %mul3A_26 : i32 to index
        %swap3A_110 = tpu.vector_load %arg9[%swap3A_108, %swap3A_109] {strides = array<i32>} : memref<8x1024xf32, #tpu.memory_space<vmem>>, vector<1x16xf32>,
        %swap3A_111 = vector.shape_cast %swap3A_110 : vector<1x16xf32> to vector<16xf32>
        %swap3A_112 = vector.shape_cast %add3A_106 : vector<16xf32> to vector<1x16xf32>
        tpu.vector_store %arg9[%swap3A_108, %swap3A_109], %swap3A_112 {strides = array<i32>} : memref<8x1024xf32, #tpu.memory_space<vmem>>, vector<1x16xf32>,
        %get3A_113 = arith.constant 10 : i32
        %get3A_114 = arith.index_cast %get3A_113 : i32 to index
        %get3A_115 = arith.index_cast %mul3A_26 : i32 to index
        %get3A_116 = tpu.vector_load %arg7[%get3A_114, %get3A_115] {strides = array<i32>} : memref<40x1024xf32, #tpu.memory_space<vmem>>, vector<1x16xf32>,
        %get3A_117 = vector.shape_cast %get3A_116 : vector<1x16xf32> to vector<16xf32>
        %get3A_118 = arith.constant 11 : i32
        %get3A_119 = arith.index_cast %get3A_118 : i32 to index
        %get3A_120 = arith.index_cast %mul3A_26 : i32 to index
        %get3A_121 = tpu.vector_load %arg7[%get3A_119, %get3A_120] {strides = array<i32>} : memref<40x1024xf32, #tpu.memory_space<vmem>>, vector<1x16xf32>,
        %get3A_122 = vector.shape_cast %get3A_121 : vector<1x16xf32> to vector<16xf32>
        %add3A_123 = arith.addf %get3A_117, %get3A_122 : vector<16xf32>
        %get3A_124 = arith.constant 12 : i32
        %get3A_125 = arith.index_cast %get3A_124 : i32 to index
        %get3A_126 = arith.index_cast %mul3A_26 : i32 to index
        %get3A_127 = tpu.vector_load %arg7[%get3A_125, %get3A_126] {strides = array<i32>} : memref<40x1024xf32, #tpu.memory_space<vmem>>, vector<1x16xf32>,
        %get3A_128 = vector.shape_cast %get3A_127 : vector<1x16xf32> to vector<16xf32>
        %add3A_129 = arith.addf %add3A_123, %get3A_128 : vector<16xf32>
        %get3A_130 = arith.constant 13 : i32
        %get3A_131 = arith.index_cast %get3A_130 : i32 to index
        %get3A_132 = arith.index_cast %mul3A_26 : i32 to index
        %get3A_133 = tpu.vector_load %arg7[%get3A_131, %get3A_132] {strides = array<i32>} : memref<40x1024xf32, #tpu.memory_space<vmem>>, vector<1x16xf32>,
        %get3A_134 = vector.shape_cast %get3A_133 : vector<1x16xf32> to vector<16xf32>
        %add3A_135 = arith.addf %add3A_129, %get3A_134 : vector<16xf32>
        %get3A_136 = arith.constant 14 : i32
        %get3A_137 = arith.index_cast %get3A_136 : i32 to index
        %get3A_138 = arith.index_cast %mul3A_26 : i32 to index
        %get3A_139 = tpu.vector_load %arg7[%get3A_137, %get3A_138] {strides = array<i32>} : memref<40x1024xf32, #tpu.memory_space<vmem>>, vector<1x16xf32>,
        %get3A_140 = vector.shape_cast %get3A_139 : vector<1x16xf32> to vector<16xf32>
        %add3A_141 = arith.addf %add3A_135, %get3A_140 : vector<16xf32>
        %get3A_142 = arith.constant 2 : i32
        %get3A_143 = arith.index_cast %get3A_142 : i32 to index
        %get3A_144 = arith.index_cast %mul3A_26 : i32 to index
        %get3A_145 = tpu.vector_load %arg8[%get3A_143, %get3A_144] {strides = array<i32>} : memref<8x1024xf32, #tpu.memory_space<vmem>>, vector<1x16xf32>,
        %get3A_146 = vector.shape_cast %get3A_145 : vector<1x16xf32> to vector<16xf32>
        %mul3A_147 = arith.constant 2.000000e-01 : f32
        %mul3A_148 = vector.broadcast %mul3A_147 : f32 to vector<16xf32>
        %mul3A_149 = arith.mulf %add3A_141, %mul3A_148 : vector<16xf32>
        %add3A_150 = arith.addf %get3A_146, %mul3A_149 : vector<16xf32>
        %swap3A_151 = arith.constant 2 : i32
        %swap3A_152 = arith.index_cast %swap3A_151 : i32 to index
        %swap3A_153 = arith.index_cast %mul3A_26 : i32 to index
        %swap3A_154 = tpu.vector_load %arg9[%swap3A_152, %swap3A_153] {strides = array<i32>} : memref<8x1024xf32, #tpu.memory_space<vmem>>, vector<1x16xf32>,
        %swap3A_155 = vector.shape_cast %swap3A_154 : vector<1x16xf32> to vector<16xf32>
        %swap3A_156 = vector.shape_cast %add3A_150 : vector<16xf32> to vector<1x16xf32>
        tpu.vector_store %arg9[%swap3A_152, %swap3A_153], %swap3A_156 {strides = array<i32>} : memref<8x1024xf32, #tpu.memory_space<vmem>>, vector<1x16xf32>,
        %get3A_157 = arith.constant 15 : i32
        %get3A_158 = arith.index_cast %get3A_157 : i32 to index
        %get3A_159 = arith.index_cast %mul3A_26 : i32 to index
        %get3A_160 = tpu.vector_load %arg7[%get3A_158, %get3A_159] {strides = array<i32>} : memref<40x1024xf32, #tpu.memory_space<vmem>>, vector<1x16xf32>,
        %get3A_161 = vector.shape_cast %get3A_160 : vector<1x16xf32> to vector<16xf32>
        %get3A_162 = arith.constant 16 : i32
        %get3A_163 = arith.index_cast %get3A_162 : i32 to index
        %get3A_164 = arith.index_cast %mul3A_26 : i32 to index
        %get3A_165 = tpu.vector_load %arg7[%get3A_163, %get3A_164] {strides = array<i32>} : memref<40x1024xf32, #tpu.memory_space<vmem>>, vector<1x16xf32>,
        %get3A_166 = vector.shape_cast %get3A_165 : vector<1x16xf32> to vector<16xf32>
        %add3A_167 = arith.addf %get3A_161, %get3A_166 : vector<16xf32>
        %get3A_168 = arith.constant 17 : i32
        %get3A_169 = arith.index_cast %get3A_168 : i32 to index
        %get3A_170 = arith.index_cast %mul3A_26 : i32 to index
        %get3A_171 = tpu.vector_load %arg7[%get3A_169, %get3A_170] {strides = array<i32>} : memref<40x1024xf32, #tpu.memory_space<vmem>>, vector<1x16xf32>,
        %get3A_172 = vector.shape_cast %get3A_171 : vector<1x16xf32> to vector<16xf32>
        %add3A_173 = arith.addf %add3A_167, %get3A_172 : vector<16xf32>
        %get3A_174 = arith.constant 18 : i32
        %get3A_175 = arith.index_cast %get3A_174 : i32 to index
        %get3A_176 = arith.index_cast %mul3A_26 : i32 to index
        %get3A_177 = tpu.vector_load %arg7[%get3A_175, %get3A_176] {strides = array<i32>} : memref<40x1024xf32, #tpu.memory_space<vmem>>, vector<1x16xf32>,
        %get3A_178 = vector.shape_cast %get3A_177 : vector<1x16xf32> to vector<16xf32>
        %add3A_179 = arith.addf %add3A_173, %get3A_178 : vector<16xf32>
        %get3A_180 = arith.constant 19 : i32
        %get3A_181 = arith.index_cast %get3A_180 : i32 to index
        %get3A_182 = arith.index_cast %mul3A_26 : i32 to index
        %get3A_183 = tpu.vector_load %arg7[%get3A_181, %get3A_182] {strides = array<i32>} : memref<40x1024xf32, #tpu.memory_space<vmem>>, vector<1x16xf32>,
        %get3A_184 = vector.shape_cast %get3A_183 : vector<1x16xf32> to vector<16xf32>
        %add3A_185 = arith.addf %add3A_179, %get3A_184 : vector<16xf32>
        %get3A_186 = arith.constant 3 : i32
        %get3A_187 = arith.index_cast %get3A_186 : i32 to index
        %get3A_188 = arith.index_cast %mul3A_26 : i32 to index
        %get3A_189 = tpu.vector_load %arg8[%get3A_187, %get3A_188] {strides = array<i32>} : memref<8x1024xf32, #tpu.memory_space<vmem>>, vector<1x16xf32>,
        %get3A_190 = vector.shape_cast %get3A_189 : vector<1x16xf32> to vector<16xf32>
        %mul3A_191 = arith.constant 2.000000e-01 : f32
        %mul3A_192 = vector.broadcast %mul3A_191 : f32 to vector<16xf32>
        %mul3A_193 = arith.mulf %add3A_185, %mul3A_192 : vector<16xf32>
        %add3A_194 = arith.addf %get3A_190, %mul3A_193 : vector<16xf32>
        %swap3A_195 = arith.constant 3 : i32
        %swap3A_196 = arith.index_cast %swap3A_195 : i32 to index
        %swap3A_197 = arith.index_cast %mul3A_26 : i32 to index
        %swap3A_198 = tpu.vector_load %arg9[%swap3A_196, %swap3A_197] {strides = array<i32>} : memref<8x1024xf32, #tpu.memory_space<vmem>>, vector<1x16xf32>,
        %swap3A_199 = vector.shape_cast %swap3A_198 : vector<1x16xf32> to vector<16xf32>
        %swap3A_200 = vector.shape_cast %add3A_194 : vector<16xf32> to vector<1x16xf32>
        tpu.vector_store %arg9[%swap3A_196, %swap3A_197], %swap3A_200 {strides = array<i32>} : memref<8x1024xf32, #tpu.memory_space<vmem>>, vector<1x16xf32>,
        %get3A_201 = arith.constant 20 : i32
        %get3A_202 = arith.index_cast %get3A_201 : i32 to index
        %get3A_203 = arith.index_cast %mul3A_26 : i32 to index
        %get3A_204 = tpu.vector_load %arg7[%get3A_202, %get3A_203] {strides = array<i32>} : memref<40x1024xf32, #tpu.memory_space<vmem>>, vector<1x16xf32>,
        %get3A_205 = vector.shape_cast %get3A_204 : vector<1x16xf32> to vector<16xf32>
        %get3A_206 = arith.constant 21 : i32
        %get3A_207 = arith.index_cast %get3A_206 : i32 to index
        %get3A_208 = arith.index_cast %mul3A_26 : i32 to index
        %get3A_209 = tpu.vector_load %arg7[%get3A_207, %get3A_208] {strides = array<i32>} : memref<40x1024xf32, #tpu.memory_space<vmem>>, vector<1x16xf32>,
        %get3A_210 = vector.shape_cast %get3A_209 : vector<1x16xf32> to vector<16xf32>
        %add3A_211 = arith.addf %get3A_205, %get3A_210 : vector<16xf32>
        %get3A_212 = arith.constant 22 : i32
        %get3A_213 = arith.index_cast %get3A_212 : i32 to index
        %get3A_214 = arith.index_cast %mul3A_26 : i32 to index
        %get3A_215 = tpu.vector_load %arg7[%get3A_213, %get3A_214] {strides = array<i32>} : memref<40x1024xf32, #tpu.memory_space<vmem>>, vector<1x16xf32>,
        %get3A_216 = vector.shape_cast %get3A_215 : vector<1x16xf32> to vector<16xf32>
        %add3A_217 = arith.addf %add3A_211, %get3A_216 : vector<16xf32>
        %get3A_218 = arith.constant 23 : i32
        %get3A_219 = arith.index_cast %get3A_218 : i32 to index
        %get3A_220 = arith.index_cast %mul3A_26 : i32 to index
        %get3A_221 = tpu.vector_load %arg7[%get3A_219, %get3A_220] {strides = array<i32>} : memref<40x1024xf32, #tpu.memory_space<vmem>>, vector<1x16xf32>,
        %get3A_222 = vector.shape_cast %get3A_221 : vector<1x16xf32> to vector<16xf32>
        %add3A_223 = arith.addf %add3A_217, %get3A_222 : vector<16xf32>
        %get3A_224 = arith.constant 24 : i32
        %get3A_225 = arith.index_cast %get3A_224 : i32 to index
        %get3A_226 = arith.index_cast %mul3A_26 : i32 to index
        %get3A_227 = tpu.vector_load %arg7[%get3A_225, %get3A_226] {strides = array<i32>} : memref<40x1024xf32, #tpu.memory_space<vmem>>, vector<1x16xf32>,
        %get3A_228 = vector.shape_cast %get3A_227 : vector<1x16xf32> to vector<16xf32>
        %add3A_229 = arith.addf %add3A_223, %get3A_228 : vector<16xf32>
        %get3A_230 = arith.constant 4 : i32
        %get3A_231 = arith.index_cast %get3A_230 : i32 to index
        %get3A_232 = arith.index_cast %mul3A_26 : i32 to index
        %get3A_233 = tpu.vector_load %arg8[%get3A_231, %get3A_232] {strides = array<i32>} : memref<8x1024xf32, #tpu.memory_space<vmem>>, vector<1x16xf32>,
        %get3A_234 = vector.shape_cast %get3A_233 : vector<1x16xf32> to vector<16xf32>
        %mul3A_235 = arith.constant 2.000000e-01 : f32
        %mul3A_236 = vector.broadcast %mul3A_235 : f32 to vector<16xf32>
        %mul3A_237 = arith.mulf %add3A_229, %mul3A_236 : vector<16xf32>
        %add3A_238 = arith.addf %get3A_234, %mul3A_237 : vector<16xf32>
        %swap3A_239 = arith.constant 4 : i32
        %swap3A_240 = arith.index_cast %swap3A_239 : i32 to index
        %swap3A_241 = arith.index_cast %mul3A_26 : i32 to index
        %swap3A_242 = tpu.vector_load %arg9[%swap3A_240, %swap3A_241] {strides = array<i32>} : memref<8x1024xf32, #tpu.memory_space<vmem>>, vector<1x16xf32>,
        %swap3A_243 = vector.shape_cast %swap3A_242 : vector<1x16xf32> to vector<16xf32>
        %swap3A_244 = vector.shape_cast %add3A_238 : vector<16xf32> to vector<1x16xf32>
        tpu.vector_store %arg9[%swap3A_240, %swap3A_241], %swap3A_244 {strides = array<i32>} : memref<8x1024xf32, #tpu.memory_space<vmem>>, vector<1x16xf32>,
        %get3A_245 = arith.constant 25 : i32
        %get3A_246 = arith.index_cast %get3A_245 : i32 to index
        %get3A_247 = arith.index_cast %mul3A_26 : i32 to index
        %get3A_248 = tpu.vector_load %arg7[%get3A_246, %get3A_247] {strides = array<i32>} : memref<40x1024xf32, #tpu.memory_space<vmem>>, vector<1x16xf32>,
        %get3A_249 = vector.shape_cast %get3A_248 : vector<1x16xf32> to vector<16xf32>
        %get3A_250 = arith.constant 26 : i32
        %get3A_251 = arith.index_cast %get3A_250 : i32 to index
        %get3A_252 = arith.index_cast %mul3A_26 : i32 to index
        %get3A_253 = tpu.vector_load %arg7[%get3A_251, %get3A_252] {strides = array<i32>} : memref<40x1024xf32, #tpu.memory_space<vmem>>, vector<1x16xf32>,
        %get3A_254 = vector.shape_cast %get3A_253 : vector<1x16xf32> to vector<16xf32>
        %add3A_255 = arith.addf %get3A_249, %get3A_254 : vector<16xf32>
        %get3A_256 = arith.constant 27 : i32
        %get3A_257 = arith.index_cast %get3A_256 : i32 to index
        %get3A_258 = arith.index_cast %mul3A_26 : i32 to index
        %get3A_259 = tpu.vector_load %arg7[%get3A_257, %get3A_258] {strides = array<i32>} : memref<40x1024xf32, #tpu.memory_space<vmem>>, vector<1x16xf32>,
        %get3A_260 = vector.shape_cast %get3A_259 : vector<1x16xf32> to vector<16xf32>
        %add3A_261 = arith.addf %add3A_255, %get3A_260 : vector<16xf32>
        %get3A_262 = arith.constant 28 : i32
        %get3A_263 = arith.index_cast %get3A_262 : i32 to index
        %get3A_264 = arith.index_cast %mul3A_26 : i32 to index
        %get3A_265 = tpu.vector_load %arg7[%get3A_263, %get3A_264] {strides = array<i32>} : memref<40x1024xf32, #tpu.memory_space<vmem>>, vector<1x16xf32>,
        %get3A_266 = vector.shape_cast %get3A_265 : vector<1x16xf32> to vector<16xf32>
        %add3A_267 = arith.addf %add3A_261, %get3A_266 : vector<16xf32>
        %get3A_268 = arith.constant 29 : i32
        %get3A_269 = arith.index_cast %get3A_268 : i32 to index
        %get3A_270 = arith.index_cast %mul3A_26 : i32 to index
        %get3A_271 = tpu.vector_load %arg7[%get3A_269, %get3A_270] {strides = array<i32>} : memref<40x1024xf32, #tpu.memory_space<vmem>>, vector<1x16xf32>,
        %get3A_272 = vector.shape_cast %get3A_271 : vector<1x16xf32> to vector<16xf32>
        %add3A_273 = arith.addf %add3A_267, %get3A_272 : vector<16xf32>
        %get3A_274 = arith.constant 5 : i32
        %get3A_275 = arith.index_cast %get3A_274 : i32 to index
        %get3A_276 = arith.index_cast %mul3A_26 : i32 to index
        %get3A_277 = tpu.vector_load %arg8[%get3A_275, %get3A_276] {strides = array<i32>} : memref<8x1024xf32, #tpu.memory_space<vmem>>, vector<1x16xf32>,
        %get3A_278 = vector.shape_cast %get3A_277 : vector<1x16xf32> to vector<16xf32>
        %mul3A_279 = arith.constant 2.000000e-01 : f32
        %mul3A_280 = vector.broadcast %mul3A_279 : f32 to vector<16xf32>
        %mul3A_281 = arith.mulf %add3A_273, %mul3A_280 : vector<16xf32>
        %add3A_282 = arith.addf %get3A_278, %mul3A_281 : vector<16xf32>
        %swap3A_283 = arith.constant 5 : i32
        %swap3A_284 = arith.index_cast %swap3A_283 : i32 to index
        %swap3A_285 = arith.index_cast %mul3A_26 : i32 to index
        %swap3A_286 = tpu.vector_load %arg9[%swap3A_284, %swap3A_285] {strides = array<i32>} : memref<8x1024xf32, #tpu.memory_space<vmem>>, vector<1x16xf32>,
        %swap3A_287 = vector.shape_cast %swap3A_286 : vector<1x16xf32> to vector<16xf32>
        %swap3A_288 = vector.shape_cast %add3A_282 : vector<16xf32> to vector<1x16xf32>
        tpu.vector_store %arg9[%swap3A_284, %swap3A_285], %swap3A_288 {strides = array<i32>} : memref<8x1024xf32, #tpu.memory_space<vmem>>, vector<1x16xf32>,
        %get3A_289 = arith.constant 30 : i32
        %get3A_290 = arith.index_cast %get3A_289 : i32 to index
        %get3A_291 = arith.index_cast %mul3A_26 : i32 to index
        %get3A_292 = tpu.vector_load %arg7[%get3A_290, %get3A_291] {strides = array<i32>} : memref<40x1024xf32, #tpu.memory_space<vmem>>, vector<1x16xf32>,
        %get3A_293 = vector.shape_cast %get3A_292 : vector<1x16xf32> to vector<16xf32>
        %get3A_294 = arith.constant 31 : i32
        %get3A_295 = arith.index_cast %get3A_294 : i32 to index
        %get3A_296 = arith.index_cast %mul3A_26 : i32 to index
        %get3A_297 = tpu.vector_load %arg7[%get3A_295, %get3A_296] {strides = array<i32>} : memref<40x1024xf32, #tpu.memory_space<vmem>>, vector<1x16xf32>,
        %get3A_298 = vector.shape_cast %get3A_297 : vector<1x16xf32> to vector<16xf32>
        %add3A_299 = arith.addf %get3A_293, %get3A_298 : vector<16xf32>
        %get3A_300 = arith.constant 32 : i32
        %get3A_301 = arith.index_cast %get3A_300 : i32 to index
        %get3A_302 = arith.index_cast %mul3A_26 : i32 to index
        %get3A_303 = tpu.vector_load %arg7[%get3A_301, %get3A_302] {strides = array<i32>} : memref<40x1024xf32, #tpu.memory_space<vmem>>, vector<1x16xf32>,
        %get3A_304 = vector.shape_cast %get3A_303 : vector<1x16xf32> to vector<16xf32>
        %add3A_305 = arith.addf %add3A_299, %get3A_304 : vector<16xf32>
        %get3A_306 = arith.constant 33 : i32
        %get3A_307 = arith.index_cast %get3A_306 : i32 to index
        %get3A_308 = arith.index_cast %mul3A_26 : i32 to index
        %get3A_309 = tpu.vector_load %arg7[%get3A_307, %get3A_308] {strides = array<i32>} : memref<40x1024xf32, #tpu.memory_space<vmem>>, vector<1x16xf32>,
        %get3A_310 = vector.shape_cast %get3A_309 : vector<1x16xf32> to vector<16xf32>
        %add3A_311 = arith.addf %add3A_305, %get3A_310 : vector<16xf32>
        %get3A_312 = arith.constant 34 : i32
        %get3A_313 = arith.index_cast %get3A_312 : i32 to index
        %get3A_314 = arith.index_cast %mul3A_26 : i32 to index
        %get3A_315 = tpu.vector_load %arg7[%get3A_313, %get3A_314] {strides = array<i32>} : memref<40x1024xf32, #tpu.memory_space<vmem>>, vector<1x16xf32>,
        %get3A_316 = vector.shape_cast %get3A_315 : vector<1x16xf32> to vector<16xf32>
        %add3A_317 = arith.addf %add3A_311, %get3A_316 : vector<16xf32>
        %get3A_318 = arith.constant 6 : i32
        %get3A_319 = arith.index_cast %get3A_318 : i32 to index
        %get3A_320 = arith.index_cast %mul3A_26 : i32 to index
        %get3A_321 = tpu.vector_load %arg8[%get3A_319, %get3A_320] {strides = array<i32>} : memref<8x1024xf32, #tpu.memory_space<vmem>>, vector<1x16xf32>,
        %get3A_322 = vector.shape_cast %get3A_321 : vector<1x16xf32> to vector<16xf32>
        %mul3A_323 = arith.constant 2.000000e-01 : f32
        %mul3A_324 = vector.broadcast %mul3A_323 : f32 to vector<16xf32>
        %mul3A_325 = arith.mulf %add3A_317, %mul3A_324 : vector<16xf32>
        %add3A_326 = arith.addf %get3A_322, %mul3A_325 : vector<16xf32>
        %swap3A_327 = arith.constant 6 : i32
        %swap3A_328 = arith.index_cast %swap3A_327 : i32 to index
        %swap3A_329 = arith.index_cast %mul3A_26 : i32 to index
        %swap3A_330 = tpu.vector_load %arg9[%swap3A_328, %swap3A_329] {strides = array<i32>} : memref<8x1024xf32, #tpu.memory_space<vmem>>, vector<1x16xf32>,
        %swap3A_331 = vector.shape_cast %swap3A_330 : vector<1x16xf32> to vector<16xf32>
        %swap3A_332 = vector.shape_cast %add3A_326 : vector<16xf32> to vector<1x16xf32>
        tpu.vector_store %arg9[%swap3A_328, %swap3A_329], %swap3A_332 {strides = array<i32>} : memref<8x1024xf32, #tpu.memory_space<vmem>>, vector<1x16xf32>,
        %get3A_333 = arith.constant 35 : i32
        %get3A_334 = arith.index_cast %get3A_333 : i32 to index
        %get3A_335 = arith.index_cast %mul3A_26 : i32 to index
        %get3A_336 = tpu.vector_load %arg7[%get3A_334, %get3A_335] {strides = array<i32>} : memref<40x1024xf32, #tpu.memory_space<vmem>>, vector<1x16xf32>,
        %get3A_337 = vector.shape_cast %get3A_336 : vector<1x16xf32> to vector<16xf32>
        %get3A_338 = arith.constant 36 : i32
        %get3A_339 = arith.index_cast %get3A_338 : i32 to index
        %get3A_340 = arith.index_cast %mul3A_26 : i32 to index
        %get3A_341 = tpu.vector_load %arg7[%get3A_339, %get3A_340] {strides = array<i32>} : memref<40x1024xf32, #tpu.memory_space<vmem>>, vector<1x16xf32>,
        %get3A_342 = vector.shape_cast %get3A_341 : vector<1x16xf32> to vector<16xf32>
        %add3A_343 = arith.addf %get3A_337, %get3A_342 : vector<16xf32>
        %get3A_344 = arith.constant 37 : i32
        %get3A_345 = arith.index_cast %get3A_344 : i32 to index
        %get3A_346 = arith.index_cast %mul3A_26 : i32 to index
        %get3A_347 = tpu.vector_load %arg7[%get3A_345, %get3A_346] {strides = array<i32>} : memref<40x1024xf32, #tpu.memory_space<vmem>>, vector<1x16xf32>,
        %get3A_348 = vector.shape_cast %get3A_347 : vector<1x16xf32> to vector<16xf32>
        %add3A_349 = arith.addf %add3A_343, %get3A_348 : vector<16xf32>
        %get3A_350 = arith.constant 38 : i32
        %get3A_351 = arith.index_cast %get3A_350 : i32 to index
        %get3A_352 = arith.index_cast %mul3A_26 : i32 to index
        %get3A_353 = tpu.vector_load %arg7[%get3A_351, %get3A_352] {strides = array<i32>} : memref<40x1024xf32, #tpu.memory_space<vmem>>, vector<1x16xf32>,
        %get3A_354 = vector.shape_cast %get3A_353 : vector<1x16xf32> to vector<16xf32>
        %add3A_355 = arith.addf %add3A_349, %get3A_354 : vector<16xf32>
        %get3A_356 = arith.constant 39 : i32
        %get3A_357 = arith.index_cast %get3A_356 : i32 to index
        %get3A_358 = arith.index_cast %mul3A_26 : i32 to index
        %get3A_359 = tpu.vector_load %arg7[%get3A_357, %get3A_358] {strides = array<i32>} : memref<40x1024xf32, #tpu.memory_space<vmem>>, vector<1x16xf32>,
        %get3A_360 = vector.shape_cast %get3A_359 : vector<1x16xf32> to vector<16xf32>
        %add3A_361 = arith.addf %add3A_355, %get3A_360 : vector<16xf32>
        %get3A_362 = arith.constant 7 : i32
        %get3A_363 = arith.index_cast %get3A_362 : i32 to index
        %get3A_364 = arith.index_cast %mul3A_26 : i32 to index
        %get3A_365 = tpu.vector_load %arg8[%get3A_363, %get3A_364] {strides = array<i32>} : memref<8x1024xf32, #tpu.memory_space<vmem>>, vector<1x16xf32>,
        %get3A_366 = vector.shape_cast %get3A_365 : vector<1x16xf32> to vector<16xf32>
        %mul3A_367 = arith.constant 2.000000e-01 : f32
        %mul3A_368 = vector.broadcast %mul3A_367 : f32 to vector<16xf32>
        %mul3A_369 = arith.mulf %add3A_361, %mul3A_368 : vector<16xf32>
        %add3A_370 = arith.addf %get3A_366, %mul3A_369 : vector<16xf32>
        %swap3A_371 = arith.constant 7 : i32
        %swap3A_372 = arith.index_cast %swap3A_371 : i32 to index
        %swap3A_373 = arith.index_cast %mul3A_26 : i32 to index
        %swap3A_374 = tpu.vector_load %arg9[%swap3A_372, %swap3A_373] {strides = array<i32>} : memref<8x1024xf32, #tpu.memory_space<vmem>>, vector<1x16xf32>,
        %swap3A_375 = vector.shape_cast %swap3A_374 : vector<1x16xf32> to vector<16xf32>
        %swap3A_376 = vector.shape_cast %add3A_370 : vector<16xf32> to vector<1x16xf32>
        tpu.vector_store %arg9[%swap3A_372, %swap3A_373], %swap3A_376 {strides = array<i32>} : memref<8x1024xf32, #tpu.memory_space<vmem>>, vector<1x16xf32>,
      }
      %scan3A_23 = arith.constant 64 : i32
      "tpu.region"() ({
        %run_scoped3A = tpu.sem_alloc : memref<!tpu.dma_semaphore, #tpu.memory_space<semaphore_mem>>
        %dma_start3A_24 = arith.constant 0 : i32
        %dma_start3A_25 = tpu.memref_slice %arg5[%add3A_11, %dma_start3A_24] : memref<4096x1024xf32, #tpu.memory_space<hbm>> -> memref<8x1024xf32, #tpu.memory_space<hbm>>
        %dma_start3A_26 = arith.constant 0 : i32
        %dma_start3A_27 = tpu.memref_slice %arg5[%add3A_11, %dma_start3A_26] : memref<4096x1024xf32, #tpu.memory_space<hbm>> -> memref<8x1024xf32, #tpu.memory_space<hbm>>
        tpu.enqueue_dma source(%arg9 : memref<8x1024xf32, #tpu.memory_space<vmem>>) target(%dma_start3A_27 : memref<8x1024xf32, #tpu.memory_space<hbm>>) target_semaphore(%run_scoped3A : memref<!tpu.dma_semaphore, #tpu.memory_space<semaphore_mem>>)
        %dma_wait3A_28 = arith.constant 0 : i32
        %dma_wait3A_29 = tpu.memref_slice %arg5[%add3A_11, %dma_wait3A_28] : memref<4096x1024xf32, #tpu.memory_space<hbm>> -> memref<8x1024xf32, #tpu.memory_space<hbm>>
        %dma_wait3A_30 = arith.constant 0 : i32
        %dma_wait3A_31 = tpu.memref_slice %arg5[%add3A_11, %dma_wait3A_30] : memref<4096x1024xf32, #tpu.memory_space<hbm>> -> memref<8x1024xf32, #tpu.memory_space<hbm>>
        tpu.wait_dma2 semaphore(%run_scoped3A : memref<!tpu.dma_semaphore, #tpu.memory_space<semaphore_mem>>) src(%arg9 : memref<8x1024xf32, #tpu.memory_space<vmem>>) dst(%dma_wait3A_31 : memref<8x1024xf32, #tpu.memory_space<hbm>>)
        tpu.yield
      }) : () -> ()
    }
    %scan3A_7 = arith.constant 16 : i32
    return
  }
}

module attributes {stable_mosaic.version = 14 : i64} {
  func.func @_topk_body(%arg0: i32, %arg1: memref<256x1024xf32, #tpu.memory_space<vmem>>, %arg2: memref<4096x1024xf32, #tpu.memory_space<vmem>>, %arg3: memref<256x5xi32, #tpu.memory_space<vmem>>) attributes {dimension_semantics = [#tpu.dimension_semantics<arbitrary>], iteration_bounds = array<i64: 16>, scalar_prefetch = 0 : i64, scratch_operands = 0 : i64, tpu.core_type = #tpu.core_type<tc>, window_params = [{transform_indices = @transform_0, window_bounds = array<i64: 256, 1024>}, {pipeline_mode = #tpu.pipeline_mode<synchronous>, transform_indices = @transform_1, window_bounds = array<i64: 4096, 1024>}, {transform_indices = @transform_2, window_bounds = array<i64: 256, 5>}]} {
    %get3A = arith.constant 0 : index
    %get3A_0 = arith.constant 0 : index
    %get3A_1 = vector.load %arg1[%get3A, %get3A_0] : memref<256x1024xf32, #tpu.memory_space<vmem>>, vector<256x1024xf32>
    %mul3A = arith.mulf %get3A_1, %get3A_1 : vector<256x1024xf32>
    %reduce_sum3A = arith.constant dense<0.000000e+00> : vector<256xf32>
    %reduce_sum3A_2 = vector.multi_reduction <add>, %mul3A, %reduce_sum3A [1] : vector<256x1024xf32> to vector<256xf32>
    %broadcast_in_dim3A = vector.shape_cast %reduce_sum3A_2 : vector<256xf32> to vector<256x1xf32>
    %sqrt3A = math.sqrt %broadcast_in_dim3A : vector<256x1xf32>
    %max3A = arith.constant 9.99999996E-13 : f32
    %max3A_3 = vector.broadcast %max3A : f32 to vector<256x1xf32>
    %max3A_4 = arith.maximumf %sqrt3A, %max3A_3 : vector<256x1xf32>
    %div3A = vector.broadcast %max3A_4 : vector<256x1xf32> to vector<256x1024xf32>
    %div3A_5 = arith.divf %get3A_1, %div3A : vector<256x1024xf32>
    %get3A_6 = arith.constant 0 : index
    %get3A_7 = arith.constant 0 : index
    %get3A_8 = vector.load %arg2[%get3A_6, %get3A_7] : memref<4096x1024xf32, #tpu.memory_space<vmem>>, vector<4096x1024xf32>
    %dot_general3A = arith.constant dense<0.000000e+00> : vector<256x4096xf32>
    %dot_general3A_9 = tpu.matmul %div3A_5, %get3A_8, %dot_general3A {dimension_numbers = #tpu.dot_dimension_numbers<[1], [1], [0], [0], [0, 0, 1, 0], [], []>, transpose_lhs_hint = false} : vector<256x1024xf32>, vector<4096x1024xf32>, vector<256x4096xf32> -> vector<256x4096xf32>
    %iota3A = tpu.iota {dimensions = array<i32: 1>} : vector<256x4096xi32>
    %reduce_max3A = arith.constant dense<0xFF800000> : vector<256xf32>
    %reduce_max3A_10 = vector.multi_reduction <maximumf>, %dot_general3A_9, %reduce_max3A [1] : vector<256x4096xf32> to vector<256xf32>
    %broadcast_in_dim3A_11 = vector.shape_cast %reduce_max3A_10 : vector<256xf32> to vector<256x1xf32>
    %eq3A = vector.broadcast %broadcast_in_dim3A_11 : vector<256x1xf32> to vector<256x4096xf32>
    %eq3A_12 = arith.cmpf oeq, %dot_general3A_9, %eq3A : vector<256x4096xf32>
    %jit3A = arith.constant 4096 : i32
    %broadcast_in_dim3A_13 = vector.broadcast %jit3A : i32 to vector<256x4096xi32>
    %select_n3A = arith.select %eq3A_12, %iota3A, %broadcast_in_dim3A_13 : vector<256x4096xi1>, vector<256x4096xi32>
    %reduce_min3A = arith.constant dense<2147483647> : vector<256xi32>
    %reduce_min3A_14 = vector.multi_reduction <minsi>, %select_n3A, %reduce_min3A [1] : vector<256x4096xi32> to vector<256xi32>
    %broadcast_in_dim3A_15 = vector.shape_cast %reduce_min3A_14 : vector<256xi32> to vector<256x1xi32>
    %eq3A_16 = vector.broadcast %broadcast_in_dim3A_15 : vector<256x1xi32> to vector<256x4096xi32>
    %eq3A_17 = arith.cmpi eq, %iota3A, %eq3A_16 : vector<256x4096xi32>
    %jit3A_18 = arith.constant 0xFF800000 : f32
    %broadcast_in_dim3A_19 = vector.broadcast %jit3A_18 : f32 to vector<256x4096xf32>
    %select_n3A_20 = arith.select %eq3A_17, %broadcast_in_dim3A_19, %dot_general3A_9 : vector<256x4096xi1>, vector<256x4096xf32>
    %reduce_max3A_21 = arith.constant dense<0xFF800000> : vector<256xf32>
    %reduce_max3A_22 = vector.multi_reduction <maximumf>, %select_n3A_20, %reduce_max3A_21 [1] : vector<256x4096xf32> to vector<256xf32>
    %broadcast_in_dim3A_23 = vector.shape_cast %reduce_max3A_22 : vector<256xf32> to vector<256x1xf32>
    %eq3A_24 = vector.broadcast %broadcast_in_dim3A_23 : vector<256x1xf32> to vector<256x4096xf32>
    %eq3A_25 = arith.cmpf oeq, %select_n3A_20, %eq3A_24 : vector<256x4096xf32>
    %jit3A_26 = arith.constant 4096 : i32
    %broadcast_in_dim3A_27 = vector.broadcast %jit3A_26 : i32 to vector<256x4096xi32>
    %select_n3A_28 = arith.select %eq3A_25, %iota3A, %broadcast_in_dim3A_27 : vector<256x4096xi1>, vector<256x4096xi32>
    %reduce_min3A_29 = arith.constant dense<2147483647> : vector<256xi32>
    %reduce_min3A_30 = vector.multi_reduction <minsi>, %select_n3A_28, %reduce_min3A_29 [1] : vector<256x4096xi32> to vector<256xi32>
    %broadcast_in_dim3A_31 = vector.shape_cast %reduce_min3A_30 : vector<256xi32> to vector<256x1xi32>
    %eq3A_32 = vector.broadcast %broadcast_in_dim3A_31 : vector<256x1xi32> to vector<256x4096xi32>
    %eq3A_33 = arith.cmpi eq, %iota3A, %eq3A_32 : vector<256x4096xi32>
    %jit3A_34 = arith.constant 0xFF800000 : f32
    %broadcast_in_dim3A_35 = vector.broadcast %jit3A_34 : f32 to vector<256x4096xf32>
    %select_n3A_36 = arith.select %eq3A_33, %broadcast_in_dim3A_35, %select_n3A_20 : vector<256x4096xi1>, vector<256x4096xf32>
    %reduce_max3A_37 = arith.constant dense<0xFF800000> : vector<256xf32>
    %reduce_max3A_38 = vector.multi_reduction <maximumf>, %select_n3A_36, %reduce_max3A_37 [1] : vector<256x4096xf32> to vector<256xf32>
    %broadcast_in_dim3A_39 = vector.shape_cast %reduce_max3A_38 : vector<256xf32> to vector<256x1xf32>
    %eq3A_40 = vector.broadcast %broadcast_in_dim3A_39 : vector<256x1xf32> to vector<256x4096xf32>
    %eq3A_41 = arith.cmpf oeq, %select_n3A_36, %eq3A_40 : vector<256x4096xf32>
    %jit3A_42 = arith.constant 4096 : i32
    %broadcast_in_dim3A_43 = vector.broadcast %jit3A_42 : i32 to vector<256x4096xi32>
    %select_n3A_44 = arith.select %eq3A_41, %iota3A, %broadcast_in_dim3A_43 : vector<256x4096xi1>, vector<256x4096xi32>
    %reduce_min3A_45 = arith.constant dense<2147483647> : vector<256xi32>
    %reduce_min3A_46 = vector.multi_reduction <minsi>, %select_n3A_44, %reduce_min3A_45 [1] : vector<256x4096xi32> to vector<256xi32>
    %broadcast_in_dim3A_47 = vector.shape_cast %reduce_min3A_46 : vector<256xi32> to vector<256x1xi32>
    %eq3A_48 = vector.broadcast %broadcast_in_dim3A_47 : vector<256x1xi32> to vector<256x4096xi32>
    %eq3A_49 = arith.cmpi eq, %iota3A, %eq3A_48 : vector<256x4096xi32>
    %jit3A_50 = arith.constant 0xFF800000 : f32
    %broadcast_in_dim3A_51 = vector.broadcast %jit3A_50 : f32 to vector<256x4096xf32>
    %select_n3A_52 = arith.select %eq3A_49, %broadcast_in_dim3A_51, %select_n3A_36 : vector<256x4096xi1>, vector<256x4096xf32>
    %reduce_max3A_53 = arith.constant dense<0xFF800000> : vector<256xf32>
    %reduce_max3A_54 = vector.multi_reduction <maximumf>, %select_n3A_52, %reduce_max3A_53 [1] : vector<256x4096xf32> to vector<256xf32>
    %broadcast_in_dim3A_55 = vector.shape_cast %reduce_max3A_54 : vector<256xf32> to vector<256x1xf32>
    %eq3A_56 = vector.broadcast %broadcast_in_dim3A_55 : vector<256x1xf32> to vector<256x4096xf32>
    %eq3A_57 = arith.cmpf oeq, %select_n3A_52, %eq3A_56 : vector<256x4096xf32>
    %jit3A_58 = arith.constant 4096 : i32
    %broadcast_in_dim3A_59 = vector.broadcast %jit3A_58 : i32 to vector<256x4096xi32>
    %select_n3A_60 = arith.select %eq3A_57, %iota3A, %broadcast_in_dim3A_59 : vector<256x4096xi1>, vector<256x4096xi32>
    %reduce_min3A_61 = arith.constant dense<2147483647> : vector<256xi32>
    %reduce_min3A_62 = vector.multi_reduction <minsi>, %select_n3A_60, %reduce_min3A_61 [1] : vector<256x4096xi32> to vector<256xi32>
    %broadcast_in_dim3A_63 = vector.shape_cast %reduce_min3A_62 : vector<256xi32> to vector<256x1xi32>
    %eq3A_64 = vector.broadcast %broadcast_in_dim3A_63 : vector<256x1xi32> to vector<256x4096xi32>
    %eq3A_65 = arith.cmpi eq, %iota3A, %eq3A_64 : vector<256x4096xi32>
    %jit3A_66 = arith.constant 0xFF800000 : f32
    %broadcast_in_dim3A_67 = vector.broadcast %jit3A_66 : f32 to vector<256x4096xf32>
    %select_n3A_68 = arith.select %eq3A_65, %broadcast_in_dim3A_67, %select_n3A_52 : vector<256x4096xi1>, vector<256x4096xf32>
    %reduce_max3A_69 = arith.constant dense<0xFF800000> : vector<256xf32>
    %reduce_max3A_70 = vector.multi_reduction <maximumf>, %select_n3A_68, %reduce_max3A_69 [1] : vector<256x4096xf32> to vector<256xf32>
    %broadcast_in_dim3A_71 = vector.shape_cast %reduce_max3A_70 : vector<256xf32> to vector<256x1xf32>
    %eq3A_72 = vector.broadcast %broadcast_in_dim3A_71 : vector<256x1xf32> to vector<256x4096xf32>
    %eq3A_73 = arith.cmpf oeq, %select_n3A_68, %eq3A_72 : vector<256x4096xf32>
    %jit3A_74 = arith.constant 4096 : i32
    %broadcast_in_dim3A_75 = vector.broadcast %jit3A_74 : i32 to vector<256x4096xi32>
    %select_n3A_76 = arith.select %eq3A_73, %iota3A, %broadcast_in_dim3A_75 : vector<256x4096xi1>, vector<256x4096xi32>
    %reduce_min3A_77 = arith.constant dense<2147483647> : vector<256xi32>
    %reduce_min3A_78 = vector.multi_reduction <minsi>, %select_n3A_76, %reduce_min3A_77 [1] : vector<256x4096xi32> to vector<256xi32>
    %broadcast_in_dim3A_79 = vector.shape_cast %reduce_min3A_78 : vector<256xi32> to vector<256x1xi32>
    %concatenate3A = tpu.concatenate %broadcast_in_dim3A_15, %broadcast_in_dim3A_31, %broadcast_in_dim3A_47, %broadcast_in_dim3A_63, %broadcast_in_dim3A_79 in 1 : vector<256x1xi32>, vector<256x1xi32>, vector<256x1xi32>, vector<256x1xi32>, vector<256x1xi32> -> vector<256x5xi32>
    %swap3A = arith.constant 0 : index
    %swap3A_80 = arith.constant 0 : index
    %swap3A_81 = vector.load %arg3[%swap3A, %swap3A_80] : memref<256x5xi32, #tpu.memory_space<vmem>>, vector<256x5xi32>
    tpu.vector_store %arg3[%swap3A, %swap3A_80], %concatenate3A {strides = array<i32>} : memref<256x5xi32, #tpu.memory_space<vmem>>, vector<256x5xi32>,
    return
  }
  func.func @transform_0(%arg0: i32) -> (i32, i32) {
    %c0_i32 = arith.constant 0 : i32
    %c0_i32_0 = arith.constant 0 : i32
    return %arg0, %c0_i32 : i32, i32
  }
  func.func @transform_1(%arg0: i32) -> (i32, i32) {
    %c0_i32 = arith.constant 0 : i32
    %c0_i32_0 = arith.constant 0 : i32
    %c0_i32_1 = arith.constant 0 : i32
    return %c0_i32, %c0_i32_0 : i32, i32
  }
  func.func @transform_2(%arg0: i32) -> (i32, i32) {
    %c0_i32 = arith.constant 0 : i32
    %c0_i32_0 = arith.constant 0 : i32
    return %arg0, %c0_i32 : i32, i32
  }
}

module attributes {stable_mosaic.version = 14 : i64} {
  func.func @_normalize_body(%arg0: i32, %arg1: memref<512x1024xf32, #tpu.memory_space<vmem>>, %arg2: memref<512x1024xf32, #tpu.memory_space<vmem>>) attributes {dimension_semantics = [#tpu.dimension_semantics<arbitrary>], iteration_bounds = array<i64: 8>, scalar_prefetch = 0 : i64, scratch_operands = 0 : i64, tpu.core_type = #tpu.core_type<tc>, window_params = [{transform_indices = @transform_0, window_bounds = array<i64: 512, 1024>}, {transform_indices = @transform_1, window_bounds = array<i64: 512, 1024>}]} {
    %get3A = arith.constant 0 : index
    %get3A_0 = arith.constant 0 : index
    %get3A_1 = vector.load %arg1[%get3A, %get3A_0] : memref<512x1024xf32, #tpu.memory_space<vmem>>, vector<512x1024xf32>
    %mul3A = arith.mulf %get3A_1, %get3A_1 : vector<512x1024xf32>
    %reduce_sum3A = arith.constant dense<0.000000e+00> : vector<512xf32>
    %reduce_sum3A_2 = vector.multi_reduction <add>, %mul3A, %reduce_sum3A [1] : vector<512x1024xf32> to vector<512xf32>
    %broadcast_in_dim3A = vector.shape_cast %reduce_sum3A_2 : vector<512xf32> to vector<512x1xf32>
    %sqrt3A = math.sqrt %broadcast_in_dim3A : vector<512x1xf32>
    %max3A = arith.constant 9.99999996E-13 : f32
    %max3A_3 = vector.broadcast %max3A : f32 to vector<512x1xf32>
    %max3A_4 = arith.maximumf %sqrt3A, %max3A_3 : vector<512x1xf32>
    %div3A = vector.broadcast %max3A_4 : vector<512x1xf32> to vector<512x1024xf32>
    %div3A_5 = arith.divf %get3A_1, %div3A : vector<512x1024xf32>
    %swap3A = arith.constant 0 : index
    %swap3A_6 = arith.constant 0 : index
    %swap3A_7 = vector.load %arg2[%swap3A, %swap3A_6] : memref<512x1024xf32, #tpu.memory_space<vmem>>, vector<512x1024xf32>
    tpu.vector_store %arg2[%swap3A, %swap3A_6], %div3A_5 {strides = array<i32>} : memref<512x1024xf32, #tpu.memory_space<vmem>>, vector<512x1024xf32>,
    return
  }
  func.func @transform_0(%arg0: i32) -> (i32, i32) {
    %c0_i32 = arith.constant 0 : i32
    %c0_i32_0 = arith.constant 0 : i32
    return %arg0, %c0_i32 : i32, i32
  }
  func.func @transform_1(%arg0: i32) -> (i32, i32) {
    %c0_i32 = arith.constant 0 : i32
    %c0_i32_0 = arith.constant 0 : i32
    return %arg0, %c0_i32 : i32, i32
  }
}

</mosaic_0001>

<sc_bundles>
// kernel: kernel.5.cloned.1.call-start
scs
__scs_entry_jumppad:
0x0: {  	(pc) =	sbr.rel $0x88, $3  }
0x1: {  	(tag) =	ssettag $0x0;
	lr =	simm.s32 $0x1  }
0x2: {  	[smem:$0x3F9F] =	sst lr;
	_ =	strace $0xD0000000  }
0x3: {  	_ = 	snop  }
0x4: {  	_ = 	snop  }
0x5: {  	_ = 	snop  }
0x6: {  	_ = 	snop  }
0x7: {  	_ = 	snop  }
__scs_overlays_trampoline_lowered:
0x8: {  	[smem:$0x3FAE] =	sst s0  }
0x9: {  	[smem:$0x3FAF] =	sst s1  }
0xa: {  	[smem:$0x3FB0] =	sst s2  }
0xb: {  	[smem:$0x3FB1] =	sst s3  }
0xc: {  	[smem:$0x3FB2] =	sst s4  }
0xd: {  	[smem:$0x3FB3] =	sst s5  }
0xe: {  	[smem:$0x3FB4] =	sst s6  }
0xf: {  	[smem:$0x3FB5] =	sst s7  }
0x10: {  	[smem:$0x3FB6] =	sst s8  }
0x11: {  	[smem:$0x3FB7] =	sst s9;
	s0 =	simm.s32 @!p0 $0x0  }
0x12: {  	s1 =	sld [smem:$0x3F9D];
	s0 =	simm.s32 @p0 $0x1  }
0x13: {  	[smem:$0x3FB8] =	sst s0;
	s0 =	simm.s32 @!p1 $0x0  }
0x14: {  	s2 =	sld [smem:$0x3F9C];
	s0 =	simm.s32 @p1 $0x1  }
0x15: {  	[smem:$0x3FB9] =	sst s0;
	s0 =	simm.s32 @!p2 $0x0  }
0x16: {  	s3 =	sld [smem:$0x3FDB];
	s0 =	simm.s32 @p2 $0x1  }
0x17: {  	s4 =	simm.s32 $0x1BF5;
	[smem:$0x3FBB] =	sst s0  }
0x18: {  	s0 =	sld [smem:$0x3F9E];
	_ =	swait.ge [sflag:s4], $0x0  }
0x19: {  	s7 =	sld [smem:$0x3F9F]  }
0x1a: {  	s8 =	sadd.s32 $0xFFFFE003, lr  }
0x1b: {  	s9 =	sadd.s32 $0xFFFFFEF7, lr;
	s5 =	simm.s32 $0xFFFFFFFF;
	p2 =	slt.u32 s8, $0xFFFFF086  }
0x1c: {  	p1 =	slt.u32 s9, $0xF7A;
	s5 =	simm.s32 @!p2 $0x0  }
0x1d: {  	s5 =	simm.s32 @p1 $0x1;
	p0 =	seq.s32 s7, s2  }
0x1e: {  	s7 =	smul.u32 @!p0 $0xF7A, s2;
	p2 =	seq.s32 @!p0 s5, $0x0  }
0x1f: {  	s9 =	smul.u32 $0xF7A, s1;
	s8 =	simm.s32 @!p0 $0x1BF5;
	p2 =	por !p2, p0  }
0x20: {  	[sflag:s8] =	ssyncset.s32 @!p0 $0xFFFFF086;
	s6 =	sadd.s32 @!p0 s3, s7;
	s7 =	simm.s32 @!p0 $0x108  }
0x21: {  	s3 =	sadd.s32 s3, s9;
	s6 =	sadd.s32 @!p0 $0x88, s6;
	s7 =	simm.s32 @p2 $0x1082  }
0x22: {  	[simem:s7], [sflag:s8] =	dma.local @!p0 [hbm:s6], $0xF7A  }
0x23: {  	s9 =	sor.u32 $0xD0000000, s2;
	s6 =	simm.s32 $0x108;
	_ =	swait.ge @!p0 [sflag:s8], $0x0  }
0x24: {  	s3 =	sadd.s32 $0x88, s3;
	s6 =	simm.s32 @!p1 $0x1082;
	[sflag:s4] =	ssyncset.s32 $0xFFFFF086  }
0x25: {  	[simem:s6], [sflag:s4] =	dma.local [hbm:s3], $0xF7A  }
0x26: {  	[smem:$0x3F9F] =	sst s1;
	(tag) =	ssettag s2;
	_ =	strace s9  }
0x27: {  	s1 =	sld [smem:$0x3FAF]  }
0x28: {  	s2 =	sld [smem:$0x3FB0]  }
0x29: {  	s4 =	sld [smem:$0x3FB2]  }
0x2a: {  	p0 =	seq.s32 s5, $0x0;
	s5 =	sld [smem:$0x3FB3]  }
0x2b: {  	s6 =	sld [smem:$0x3FB4]  }
0x2c: {  	s7 =	sld [smem:$0x3FB5]  }
0x2d: {  	s3 =	simm.s32 $0x108;
	s8 =	sld [smem:$0x3FB6]  }
0x2e: {  	s3 =	simm.s32 @!p0 $0x1082;
	s9 =	sld [smem:$0x3FB7]  }
0x2f: {  	lr =	sadd.s32 s0, s3;
	s0 =	sld [smem:$0x3FAE]  }
0x30: {  	s3 =	sld [smem:$0x3FB1]  }
0x31: {  	[smem:$0x3FBA] =	sst s10  }
0x32: {  	s10 =	sld [smem:$0x3FB8];
	_ =	sdelay $0x3  }
0x33: {  	p0 =	seq.s32 s10, $0x1;
	s10 =	sld [smem:$0x3FBA];
	_ =	sdelay $0x3  }
0x34: {  	[smem:$0x3FBA] =	sst s10  }
0x35: {  	s10 =	sld [smem:$0x3FB9];
	_ =	sdelay $0x3  }
0x36: {  	p1 =	seq.s32 s10, $0x1;
	s10 =	sld [smem:$0x3FBA];
	_ =	sdelay $0x3  }
0x37: {  	[smem:$0x3FBA] =	sst s10  }
0x38: {  	s10 =	sld [smem:$0x3FBB]  }
0x39: {  	_ = 	snop;
	(pc) =	sbr.ind lr, $3  }
0x3a: {  	_ = 	snop  }
0x3b: {  	_ = 	snop  }
0x3c: {  	p2 =	seq.s32 s10, $0x1;
	s10 =	sld [smem:$0x3FBA]  }
0x3d: {  	_ =	shalt  }
0x3e: {  	_ =	shalt  }
0x3f: {  	_ =	shalt  }
0x40: {  	_ =	shalt  }
0x41: {  	_ =	shalt  }
0x42: {  	_ =	shalt  }
0x43: {  	_ =	shalt  }
0x44: {  	_ =	shalt  }
0x45: {  	_ =	shalt  }
0x46: {  	_ =	shalt  }
0x47: {  	_ =	shalt  }
0x48: {  	_ =	shalt  }
0x49: {  	_ =	shalt  }
0x4a: {  	_ =	shalt  }
0x4b: {  	_ =	shalt  }
0x4c: {  	_ =	shalt  }
0x4d: {  	_ =	shalt  }
0x4e: {  	_ =	shalt  }
0x4f: {  	_ =	shalt  }
0x50: {  	_ =	shalt  }
0x51: {  	_ =	shalt  }
0x52: {  	_ =	shalt  }
0x53: {  	_ =	shalt  }
0x54: {  	_ =	shalt  }
0x55: {  	_ =	shalt  }
0x56: {  	_ =	shalt  }
0x57: {  	_ =	shalt  }
0x58: {  	_ =	shalt  }
0x59: {  	_ =	shalt  }
0x5a: {  	_ =	shalt  }
0x5b: {  	_ =	shalt  }
0x5c: {  	_ =	shalt  }
0x5d: {  	_ =	shalt  }
0x5e: {  	_ =	shalt  }
0x5f: {  	_ =	shalt  }
0x60: {  	_ =	shalt  }
0x61: {  	_ =	shalt  }
0x62: {  	_ =	shalt  }
0x63: {  	_ =	shalt  }
0x64: {  	_ =	shalt  }
0x65: {  	_ =	shalt  }
0x66: {  	_ =	shalt  }
0x67: {  	_ =	shalt  }
0x68: {  	_ =	shalt  }
0x69: {  	_ =	shalt  }
0x6a: {  	_ =	shalt  }
0x6b: {  	_ =	shalt  }
0x6c: {  	_ =	shalt  }
0x6d: {  	_ =	shalt  }
0x6e: {  	_ =	shalt  }
0x6f: {  	_ =	shalt  }
0x70: {  	_ =	shalt  }
0x71: {  	_ =	shalt  }
0x72: {  	_ =	shalt  }
0x73: {  	_ =	shalt  }
0x74: {  	_ =	shalt  }
0x75: {  	_ =	shalt  }
0x76: {  	_ =	shalt  }
0x77: {  	_ =	shalt  }
0x78: {  	_ =	shalt  }
0x79: {  	_ =	shalt  }
0x7a: {  	_ =	shalt  }
0x7b: {  	_ =	shalt  }
0x7c: {  	_ =	shalt  }
0x7d: {  	_ =	shalt  }
0x7e: {  	_ =	shalt  }
0x7f: {  	_ =	shalt  }
0x80: {  	_ =	shalt  }
0x81: {  	_ =	shalt  }
0x82: {  	_ =	shalt  }
0x83: {  	_ =	shalt  }
0x84: {  	_ =	shalt  }
0x85: {  	_ =	shalt  }
0x86: {  	_ =	shalt  }
0x87: {  	_ =	shalt  }
.Lfunc_end0:
.L_simem_size_0:
called_computation_lowered:
.L_overlay_start_0:
0x88: {  	s2 =	sld [smem:$0x3FD9]  }
0x89: {  	s3 =	sld [smem:$0x3FFE];
	_ =	sdelay $0x1  }
0x8a: {  	s1 =	srdreg.scid  }
0x8b: {  	s0 =	sand.u32 $0x1, s1  }
0x8c: {  	s17 =	sshll.u32 s0, $0xA;
	s2 =	sadd.s32 s3, s2  }
0x8d: {  	s2 =	sadd.s32 s2, s17  }
0x8e: {  	[smem:$0x3FC6] =	sst s2  }
0x8f: {  	_ = 	snop  }
0x90: {  	s2 =	sld [smem:$0x3FC9]  }
0x91: {  	s18 =	sld [smem:$0x3FC8]  }
0x92: {  	s4 =	sld [smem:$0x3FD0];
	(tm) =	ssettm $0x1  }
0x93: {  	s5 =	sld [smem:$0x3FFB];
	_ =	sdelay $0x3  }
0x94: {  	_ =	strace s5  }
0x95: {  	s5 =	sld [smem:$0x3FFC];
	_ =	sdelay $0x3  }
0x96: {  	_ =	strace s5  }
0x97: {  	s5 =	sld [smem:$0x3FFD];
	_ =	sdelay $0x3  }
0x98: {  	_ =	strace s5  }
0x99: {  	_ =	strace $0x8FFFFFFF  }
0x9a: {  	s19 =	sld [smem:$0x3FDB];
	_ =	sdelay $0x1  }
0x9b: {  	s6 =	simm.s32 $_scs_section_size  }
0x9c: {  	s7 =	simm.s32 $_size__tile_overlayer_lowered;
	s8 =	simm.s32 $_tile_overlayer_lowered  }
0x9d: {  	s22 =	simm.s32 $0x1BFF;
	s21 =	sshll.u32 s8, $0x1;
	s5 =	sadd.s32 s6, s19  }
0x9e: {  	s9 =	simm.s32 $0x0;
	s20 =	sshll.u32 s7, $0x1;
	s7 =	sadd.s32 s21, s5  }
0x9f: {  	[timem:s9], [sflag:s22] =	dma.local [hbm:s7], s20  }
0xa0: {  	_ =	swait.ge [sflag:s22], s20  }
0xa1: {  	s6 =	ssub.s32 $0x0, s20;
	[sflag:s22] =	ssyncset.done $0x0  }
0xa2: {  	[sflag:s22] =	ssyncadd.s32 s6;
	_ =	sdelay $0x1  }
0xa3: {  	s23 =	simm.s32 $0x1B8B  }
0xa4: {  	_ =	swait.ge [sflag:s23], $0x1  }
0xa5: {  	[sflag:s23] =	ssyncset.done $0x0  }
0xa6: {  	s25 =	simm.s32 $0x1B8E;
	s24 =	sld [smem:$0x3FFE];
	[sflag:s23] =	ssyncadd.s32 $0xFFFFFFFF  }
0xa7: {  	s26 =	simm.s32 $execute0_lowered;
	[smem:$0x3FD2] =	sst s25  }
0xa8: {  	s7 =	sshll.u32 s26, $0x1;
	_ =	strace $0x80000046;
	[dreg:$0x1] =	wrdreg $0xFFFFFFFF  }
0xa9: {  	s28 =	simm.s32 $_size_execute0_lowered;
	s5 =	sadd.s32 s5, s7;
	[dreg:$0x0] =	wrdreg $0x0  }
0xaa: {  	s7 =	sshll.u32 s28, $0x1;
	[dreg:$0x2] =	wrdreg s5  }
0xab: {  	[dreg:$0x3] =	wrdreg s7  }
0xac: {  	[dreg:$0x4] =	wrdreg $0xC0  }
0xad: {  	_ =	task [dreg:s9], $0x5FFFF  }
0xae: {  	[dreg:$0x1] =	wrdreg $0xFFFFFFFF  }
0xaf: {  	[dreg:$0x0] =	wrdreg $0x60  }
0xb0: {  	[dreg:$0x2] =	wrdreg s18  }
0xb1: {  	[dreg:$0x3] =	wrdreg s24  }
0xb2: {  	[dreg:$0x4] =	wrdreg s2  }
0xb3: {  	[dreg:$0x5] =	wrdreg s4  }
0xb4: {  	[dreg:$0x6] =	wrdreg $0x9  }
0xb5: {  	_ =	task.clear_ibuf [dreg:s9], $0x7FFFF;
	_ =	strace $0x90000046  }
0xb6: {  	s29 =	simm.s32 $0x9;
	_ =	strace $0x80000048  }
0xb7: {  	_ =	swait.ge [sflag:s29], $0x1  }
0xb8: {  	[sflag:s29] =	ssyncadd.s32 $0xFFFFFFFF  }
0xb9: {  	_ =	strace $0x90000048  }
0xba: {  	_ =	sfence  }
0xbb: {  	s30 =	sld [smem:$0x0];
	_ =	sdelay $0x2  }
0xbc: {  	s31 =	sshll.u32 s1, $0xD;
	s1 =	sshrl.u32 s1, $0x2  }
0xbd: {  	s3 =	sand.u32 $0x4000, s31;
	s1 =	sadd.s32 s1, s30  }
0xbe: {  	s0 =	sor.u32 s3, s0;
	s1 =	sshll.u32 s1, $0x11  }
0xbf: {  	s0 =	sor.u32 s1, s0  }
0xc0: {  	s0 =	sadd.s32 $0x8F2B, s0  }
0xc1: {  	[sflag:s0] =	ssyncadd.remote.s32 $0x1  }
0xc2: {  	_ =	sfence.sel $0xFFFF  }
0xc3: {  	[dreg:$0x0] =	wrdreg $0xFFFFFFFF;
	(pc) =	sbr.abs _section_cstart, $3  }
0xc4: {  	[dreg:$0x1] =	wrdreg $0xFFFFFFFF  }
0xc5: {  	_ =	task.clear_ibuf [dreg:s9], $0x2FFFF;
	_ =	strace $0x9FFFFFFF  }
0xc6: {  	(tm) =	ssettm $0x7FFFFFFF  }
0xc7: {  	_ =	shalt  }
tec
execute0_lowered:
.L_overlay_start_1:
0x0: {  	(tag) =	ssettag $0x1  }
0x1: {  	s1 =	rddreg [dreg:$0x0]  }
0x2: {  	s0 =	rddreg [dreg:$0x1];
	s3 =	simm.s32 $0x0;
	s2 =	srdreg.scid  }
0x3: {  	s4 =	stileid.u32;
	s12 =	simm.s32 $0x2;
	s21 =	simm.s32 $0x4080  }
0x4: {  	s22 =	simm.s32 $0x4880;
	s23 =	simm.s32 $0x5080;
	s28 =	simm.s32 $0x7080  }
0x5: {  	s29 =	simm.s32 $0x7880;
	s30 =	simm.s32 $0x8080;
	s31 =	simm.s32 $0x8880  }
0x6: {  	s5 =	simm.s32 $0x9880;
	s11 =	simm.s32 $0x1;
	s13 =	simm.s32 $0x0  }
0x7: {  	[smem:$0x7FF] =	sst s3;
	s2 =	sand.u32 $0x1, s2;
	s6 =	sadd.s32 $0x800, s0  }
0x8: {  	s26 =	sshll.u32 s4, $0x8;
	s8 =	sadd.s32 $0x100, s1;
	s9 =	sadd.s32 $0x200, s1  }
0x9: {  	s10 =	sadd.s32 $0x300, s1;
	s3 =	simm.s32 $0xC080;
	s24 =	ssub.s32 $0x2, s2  }
0xa: {  	_ =	strace $0x80000047;
	s2 =	sshll.u32 s2, $0x7;
	s25 =	sshrl.u32 s24, $0x1  }
0xb: {  	v2 =	vlaneseq.u32;
	s7 =	sor.u32 s2, s26;
	s26 =	simm.s32 $0x6880;
	s0 =	ssub.s32 s24, s25  }
0xc: {  	vm0 =	vmmov $0xffff;
	v1 =	vshrl.u32 v2, $0x3;
	s2 =	simm.s32 $0xA080;
	s24 =	simm.s32 $0x5880;
	s0 =	smax.u32 s0, $0x1  }
0xd: {  	v0 =	vand.u32 $0x7, v2;
	v2 =	vor.u32 $0x8, v2;
	v1 =	vmul.u32 $0x8, v1;
	s25 =	simm.s32 $0x6080;
	[dreg:$0x5] =	wrdreg s0;
	s0 =	simm.s32 $0x9080  }
.LBB2_1:
0xe: {  	[dreg:$0x6] =	wrdreg s13;
	s4 =	simm.s32 $0x0  }
.LBB2_2:
0xf: {  	s13 =	sshll.u32 s4, $0x3  }
0x10: {  	s13 =	sadd.s32 s7, s13  }
0x11: {  	s14 =	smul.u32 $0x5, s13;
	_ =	sdelay $0x1  }
0x12: {  	s14 =	sshrl.u32 s14, $0x3  }
0x13: {  	s15 =	sadd.s32 s6, s14;
	s14 =	simm.s32 $0x0  }
0x14: {  	[tilespmem:s14], [sflag:$0x2] =	stream.linear.gather [hbm4b:s15+s14], $0x28, $0x38;
	[tilespmem:$0xE080] =	vst v63  }
0x15: {  	_ =	swait.ge [sflag:s12], $0x28  }
0x16: {  	[sflag:s12] =	ssyncset.done $0x0  }
0x17: {  	[sflag:s12] =	ssyncadd.s32 $0xFFFFFFD8  }
0x18: {  	v3 =	vld [tilespmem:$0x0];
	_ =	sdelay $0x4  }
0x19: {  	v4 =	vshll.u32 v3, $0x3  }
0x1a: {  	v3 =	vand.u32 $0x7, v3;
	v4 =	vand.u32 $0xFFFFFFC0, v4  }
0x1b: {  	v3 =	vor.u32 v3, v4  }
0x1c: {  	v4 =	vperm.xlane v3, v0;
	_ =	sdelay $0x1  }
0x1d: {  	v4 =	vadd.s32 v1, v4;
	_ =	sdelay $0x3  }
0x1e: {  	s16 =	simm.s32 $0x80  }
0x1f: {  	[tilespmem:s16], [sflag:$0x1] =	stream.indirect_vreg.gather [hbm4b:s1+s14], $0x80, v4, vm0, $0xb8;
	[tilespmem:$0xE080] =	vst v63  }
0x20: {  	s17 =	simm.s32 $0x880;
	v3 =	vperm.xlane v3, v2  }
0x21: {  	[tilespmem:s17], [sflag:$0x1] =	stream.indirect_vreg.gather [hbm4b:s8+s14], $0x80, v4, vm0, $0xb8;
	[tilespmem:$0xE080] =	vst v63  }
0x22: {  	s18 =	simm.s32 $0x1080;
	v3 =	vadd.s32 v1, v3  }
0x23: {  	[tilespmem:s18], [sflag:$0x1] =	stream.indirect_vreg.gather [hbm4b:s9+s14], $0x80, v4, vm0, $0xb8;
	[tilespmem:$0xE080] =	vst v63  }
0x24: {  	s19 =	simm.s32 $0x1880  }
0x25: {  	[tilespmem:s19], [sflag:$0x1] =	stream.indirect_vreg.gather [hbm4b:s10+s14], $0x80, v4, vm0, $0xb8;
	[tilespmem:$0xE080] =	vst v63  }
0x26: {  	s20 =	simm.s32 $0x2080  }
0x27: {  	[tilespmem:s20], [sflag:$0x1] =	stream.indirect_vreg.gather [hbm4b:s1+s14], $0x80, v3, vm0, $0xb8;
	[tilespmem:$0xE080] =	vst v63  }
0x28: {  	s16 =	simm.s32 $0x2880  }
0x29: {  	[tilespmem:s16], [sflag:$0x1] =	stream.indirect_vreg.gather [hbm4b:s8+s14], $0x80, v3, vm0, $0xb8;
	[tilespmem:$0xE080] =	vst v63  }
0x2a: {  	s17 =	simm.s32 $0x3080  }
0x2b: {  	[tilespmem:s17], [sflag:$0x1] =	stream.indirect_vreg.gather [hbm4b:s9+s14], $0x80, v3, vm0, $0xb8;
	[tilespmem:$0xE080] =	vst v63  }
0x2c: {  	s18 =	simm.s32 $0x3880  }
0x2d: {  	[tilespmem:s18], [sflag:$0x1] =	stream.indirect_vreg.gather [hbm4b:s10+s14], $0x80, v3, vm0, $0xb8;
	[tilespmem:$0xE080] =	vst v63  }
0x2e: {  	v3 =	vld [tilespmem:$0x10];
	_ =	sdelay $0x4  }
0x2f: {  	v4 =	vshll.u32 v3, $0x3  }
0x30: {  	v3 =	vand.u32 $0x7, v3;
	v4 =	vand.u32 $0xFFFFFFC0, v4  }
0x31: {  	v3 =	vor.u32 v3, v4  }
0x32: {  	v4 =	vperm.xlane v3, v0;
	_ =	sdelay $0x1  }
0x33: {  	v4 =	vadd.s32 v1, v4;
	_ =	sdelay $0x4  }
0x34: {  	[tilespmem:s21], [sflag:$0x1] =	stream.indirect_vreg.gather [hbm4b:s1+s14], $0x80, v4, vm0, $0xb8;
	[tilespmem:$0xE080] =	vst v63  }
0x35: {  	v3 =	vperm.xlane v3, v2  }
0x36: {  	[tilespmem:s22], [sflag:$0x1] =	stream.indirect_vreg.gather [hbm4b:s8+s14], $0x80, v4, vm0, $0xb8;
	[tilespmem:$0xE080] =	vst v63  }
0x37: {  	v3 =	vadd.s32 v1, v3  }
0x38: {  	[tilespmem:s23], [sflag:$0x1] =	stream.indirect_vreg.gather [hbm4b:s9+s14], $0x80, v4, vm0, $0xb8;
	[tilespmem:$0xE080] =	vst v63  }
0x39: {  	_ = 	snop  }
0x3a: {  	[tilespmem:s24], [sflag:$0x1] =	stream.indirect_vreg.gather [hbm4b:s10+s14], $0x80, v4, vm0, $0xb8;
	[tilespmem:$0xE080] =	vst v63  }
0x3b: {  	_ = 	snop  }
0x3c: {  	[tilespmem:s25], [sflag:$0x1] =	stream.indirect_vreg.gather [hbm4b:s1+s14], $0x80, v3, vm0, $0xb8;
	[tilespmem:$0xE080] =	vst v63  }
0x3d: {  	_ = 	snop  }
0x3e: {  	[tilespmem:s26], [sflag:$0x1] =	stream.indirect_vreg.gather [hbm4b:s8+s14], $0x80, v3, vm0, $0xb8;
	[tilespmem:$0xE080] =	vst v63  }
0x3f: {  	_ = 	snop  }
0x40: {  	[tilespmem:s28], [sflag:$0x1] =	stream.indirect_vreg.gather [hbm4b:s9+s14], $0x80, v3, vm0, $0xb8;
	[tilespmem:$0xE080] =	vst v63  }
0x41: {  	_ = 	snop  }
0x42: {  	[tilespmem:s29], [sflag:$0x1] =	stream.indirect_vreg.gather [hbm4b:s10+s14], $0x80, v3, vm0, $0xb8;
	[tilespmem:$0xE080] =	vst v63  }
0x43: {  	v3 =	vld.msk [tilespmem:$0x20], $0xff;
	_ =	sdelay $0x4  }
0x44: {  	v4 =	vshll.u32 v3, $0x3  }
0x45: {  	v3 =	vand.u32 $0x7, v3;
	v4 =	vand.u32 $0xFFFFFFC0, v4  }
0x46: {  	v3 =	vor.u32 v3, v4  }
0x47: {  	v3 =	vperm.xlane v3, v0;
	_ =	sdelay $0x1  }
0x48: {  	v3 =	vadd.s32 v1, v3;
	_ =	sdelay $0x4  }
0x49: {  	[tilespmem:s30], [sflag:$0x1] =	stream.indirect_vreg.gather [hbm4b:s1+s14], $0x80, v3, vm0, $0xb8;
	[tilespmem:$0xE080] =	vst v63  }
0x4a: {  	_ = 	snop  }
0x4b: {  	[tilespmem:s31], [sflag:$0x1] =	stream.indirect_vreg.gather [hbm4b:s8+s14], $0x80, v3, vm0, $0xb8;
	[tilespmem:$0xE080] =	vst v63  }
0x4c: {  	_ = 	snop  }
0x4d: {  	[tilespmem:s0], [sflag:$0x1] =	stream.indirect_vreg.gather [hbm4b:s9+s14], $0x80, v3, vm0, $0xb8;
	[tilespmem:$0xE080] =	vst v63  }
0x4e: {  	_ = 	snop  }
0x4f: {  	[tilespmem:s5], [sflag:$0x1] =	stream.indirect_vreg.gather [hbm4b:s10+s14], $0x80, v3, vm0, $0xb8;
	[tilespmem:$0xE080] =	vst v63  }
0x50: {  	_ =	swait.ge [sflag:s11], $0xA000  }
0x51: {  	[sflag:s11] =	ssyncset.done $0x0  }
0x52: {  	[sflag:s11] =	ssyncadd.s32 $0xFFFF6000  }
0x53: {  	s13 =	sshll.u32 s13, $0x7;
	s19 =	rddreg [dreg:$0x2]  }
0x54: {  	s15 =	sadd.s32 s19, s13  }
0x55: {  	[tilespmem:s2], [sflag:$0x2] =	stream.linear.gather [hbm4b:s15+s14], $0x2000, $0x38;
	[tilespmem:$0xE080] =	vst v63  }
0x56: {  	_ =	swait.ge [sflag:s12], $0x2000  }
0x57: {  	s20 =	sand.u32 $0x70, s14;
	s16 =	sand.u32 $0x1C00, s14;
	[sflag:s12] =	ssyncset.done $0x0  }
0x58: {  	s15 =	sor.u32 s20, s16;
	[sflag:s12] =	ssyncadd.s32 $0xFFFFE000  }
0x59: {  	v5 =	vld [tilespmem:s15+$0x300]  }
0x5a: {  	v4 =	vld [tilespmem:s15+$0x4200]  }
0x5b: {  	v3 =	vld [tilespmem:s15+$0x2300]  }
0x5c: {  	v6 =	vld [tilespmem:s15+$0x4180]  }
0x5d: {  	v7 =	vld [tilespmem:s15+$0x6300]  }
0x5e: {  	v8 =	vld [tilespmem:s15+$0x4100]  }
0x5f: {  	v9 =	vld [tilespmem:s15+$0x6200]  }
0x60: {  	v10 =	vld [tilespmem:s15+$0x2400]  }
0x61: {  	v12 =	vld [tilespmem:s15+$0x2280]  }
0x62: {  	v13 =	vld [tilespmem:s15+$0x6280]  }
0x63: {  	v11 =	vld [tilespmem:s15+$0x6100]  }
0x64: {  	v14 =	vld [tilespmem:s15+$0x180]  }
0x65: {  	v15 =	vld [tilespmem:s15+$0x6180]  }
0x66: {  	v16 =	vld [tilespmem:s15+$0x4080]  }
0x67: {  	v17 =	vld [tilespmem:s15+$0x2200]  }
0x68: {  	v18 =	vld [tilespmem:s15+$0x2180]  }
0x69: {  	v19 =	vld [tilespmem:s15+$0x80]  }
0x6a: {  	v20 =	vld [tilespmem:s15+$0x100]  }
0x6b: {  	v21 =	vld [tilespmem:s15+$0x2380]  }
0x6c: {  	v15 =	vadd.f32 v15, v11;
	v10 =	vadd.f32 v16, v10;
	v11 =	vld [tilespmem:s15+$0x280]  }
0x6d: {  	v16 =	vadd.f32 v17, v18;
	v17 =	vld [tilespmem:s15+$0x380]  }
0x6e: {  	v15 =	vadd.f32 v9, v15;
	v8 =	vadd.f32 v8, v10;
	v9 =	vld [tilespmem:s15+$0x8080]  }
0x6f: {  	v10 =	vld [tilespmem:s15+$0x200];
	v16 =	vadd.f32 v12, v16  }
0x70: {  	v12 =	vld [tilespmem:s15+$0xA080];
	v13 =	vadd.f32 v13, v15;
	v6 =	vadd.f32 v6, v8  }
0x71: {  	v8 =	vadd.f32 v20, v19;
	v15 =	vadd.f32 v3, v16;
	v3 =	vld [tilespmem:s15+$0x8300]  }
0x72: {  	v16 =	vadd.f32 v7, v13;
	v62 =	vadd.f32 v4, v6;
	v4 =	vld [tilespmem:s15+$0xA300]  }
0x73: {  	v8 =	vadd.f32 v14, v8;
	v63 =	vadd.f32 v21, v15;
	v13 =	vld [tilespmem:s15+$0x6400]  }
0x74: {  	v7 =	vadd.f32 v17, v5;
	v14 =	vld [tilespmem:s15+$0x6380];
	v6 =	vmul.f32 $2.000000030e-01, v16  }
0x75: {  	s17 =	simm.s32 $0x10;
	s16 =	sor.u32 s14, s14;
	v5 =	vmul.f32 $2.000000030e-01, v62;
	v15 =	vadd.f32 v10, v8;
	v8 =	vmul.f32 $2.000000030e-01, v63;
	v10 =	vld [tilespmem:s15+$0x4400]  }
.LBB2_3:
0x76: {  	p0 =	sne.s32 s17, $0x3F0  }
0x77: {  	v11 =	vadd.f32 v11, v15;
	v15 =	vld [tilespmem:s15+$0x8180];
	s14 =	sadd.s32 $0x80, s14;
	s19 =	smov.u32 s17;
	s17 =	sadd.s32 $0x10, s17  }
0x78: {  	s20 =	sor.u32 s14, s19;
	v16 =	vld [tilespmem:s15+$0x8100]  }
0x79: {  	v11 =	vmul.f32 $2.000000030e-01, v11;
	v17 =	vld [tilespmem:s15+$0x4300]  }
0x7a: {  	v18 =	vld [tilespmem:s15+$0x4280];
	v13 =	vadd.f32 v13, v14  }
0x7b: {  	v11 =	vadd.f32 v11, v12;
	v12 =	vld [tilespmem:s15+$0x2080]  }
0x7c: {  	v14 =	vld [tilespmem:s15+$0x4380];
	v9 =	vadd.f32 v9, v13  }
0x7d: {  	s18 =	sor.u32 $0x380, s16;
	s16 =	smov.u32 s20;
	[tilespmem:s15+$0xC080] =	vst v11;
	v11 =	vld [tilespmem:s15+$0x2100]  }
0x7e: {  	v13 =	vld [tilespmem:s18+$0x80];
	v9 =	vadd.f32 v16, v9  }
0x7f: {  	v16 =	vadd.f32 v17, v18;
	v17 =	vld [tilespmem:s15+$0xA380]  }
0x80: {  	v18 =	vld [tilespmem:s15+$0xA180];
	v9 =	vadd.f32 v15, v9  }
0x81: {  	v14 =	vadd.f32 v14, v16;
	v15 =	vld [tilespmem:s15+$0x6080]  }
0x82: {  	v16 =	vld [tilespmem:s15+$0xA200];
	v9 =	vmul.f32 $2.000000030e-01, v9  }
0x83: {  	v7 =	vadd.f32 v13, v7;
	v10 =	vadd.f32 v10, v14;
	v13 =	vld [tilespmem:s15+$0x8280]  }
0x84: {  	v9 =	vadd.f32 v9, v17;
	v14 =	vld [tilespmem:s15+$0x8200]  }
0x85: {  	v7 =	vadd.f32 v12, v7;
	v8 =	vadd.f32 v8, v18;
	v12 =	vld [tilespmem:s15+$0xA280]  }
0x86: {  	v4 =	vadd.f32 v6, v4;
	v17 =	vld [tilespmem:s15+$0xA100];
	v10 =	vadd.f32 v15, v10;
	[tilespmem:s15+$0xC380] =	vst v9  }
0x87: {  	v6 =	vadd.f32 v11, v7;
	[tilespmem:s15+$0xC180] =	vst v8;
	v5 =	vadd.f32 v5, v16  }
0x88: {  	s19 =	sand.u32 $0x70, s19;
	s20 =	sand.u32 $0x1C00, s14;
	v7 =	vmul.f32 $2.000000030e-01, v10;
	[tilespmem:s15+$0xC300] =	vst v4;
	v4 =	vld [tilespmem:s15+$0x8380]  }
0x89: {  	s19 =	sor.u32 s19, s20;
	v6 =	vmul.f32 $2.000000030e-01, v6;
	[tilespmem:s15+$0xC200] =	vst v5;
	v5 =	vadd.f32 v13, v14  }
0x8a: {  	v7 =	vadd.f32 v7, v12;
	v8 =	vld [tilespmem:s15+$0x8400]  }
0x8b: {  	v6 =	vadd.f32 v6, v17;
	v3 =	vadd.f32 v3, v5  }
0x8c: {  	[tilespmem:s15+$0xC280] =	vst v7  }
0x8d: {  	[tilespmem:s15+$0xC100] =	vst v6;
	v3 =	vadd.f32 v4, v3;
	s15 =	smov.u32 s19  }
0x8e: {  	v4 =	vld [tilespmem:s18+$0xA080]  }
0x8f: {  	v3 =	vadd.f32 v8, v3;
	_ =	sdelay $0x1  }
0x90: {  	v3 =	vmul.f32 $2.000000030e-01, v3;
	_ =	sdelay $0x1  }
0x91: {  	v3 =	vadd.f32 v3, v4;
	_ =	sdelay $0x1  }
0x92: {  	[tilespmem:s18+$0xC080] =	vst v3  }
0x93: {  	v4 =	vld [tilespmem:s15+$0x300]  }
0x94: {  	v3 =	vld [tilespmem:s15+$0x4200]  }
0x95: {  	v5 =	vld [tilespmem:s15+$0x2300]  }
0x96: {  	v6 =	vld [tilespmem:s15+$0x4180]  }
0x97: {  	v7 =	vld [tilespmem:s15+$0x6300]  }
0x98: {  	v8 =	vld [tilespmem:s15+$0x4100]  }
0x99: {  	v9 =	vld [tilespmem:s15+$0x6200]  }
0x9a: {  	v10 =	vld [tilespmem:s15+$0x2400]  }
0x9b: {  	v12 =	vld [tilespmem:s15+$0x2280]  }
0x9c: {  	v13 =	vld [tilespmem:s15+$0x6280]  }
0x9d: {  	v11 =	vld [tilespmem:s15+$0x6100]  }
0x9e: {  	v14 =	vld [tilespmem:s15+$0x180]  }
0x9f: {  	v15 =	vld [tilespmem:s15+$0x6180]  }
0xa0: {  	v16 =	vld [tilespmem:s15+$0x4080]  }
0xa1: {  	v17 =	vld [tilespmem:s15+$0x2200]  }
0xa2: {  	v18 =	vld [tilespmem:s15+$0x2180]  }
0xa3: {  	v19 =	vld [tilespmem:s15+$0x80]  }
0xa4: {  	v20 =	vld [tilespmem:s15+$0x100];
	v15 =	vadd.f32 v15, v11  }
0xa5: {  	v21 =	vld [tilespmem:s15+$0x2380];
	v10 =	vadd.f32 v16, v10  }
0xa6: {  	v11 =	vld [tilespmem:s15+$0x280];
	v9 =	vadd.f32 v9, v15  }
0xa7: {  	v15 =	vld [tilespmem:s15+$0x380];
	v16 =	vadd.f32 v17, v18;
	v8 =	vadd.f32 v8, v10  }
0xa8: {  	v10 =	vadd.f32 v13, v9;
	v9 =	vld [tilespmem:s15+$0x8080]  }
0xa9: {  	v17 =	vld [tilespmem:s15+$0x200];
	v13 =	vadd.f32 v12, v16;
	v6 =	vadd.f32 v6, v8  }
0xaa: {  	v8 =	vadd.f32 v20, v19;
	v12 =	vld [tilespmem:s15+$0xA080];
	v10 =	vadd.f32 v7, v10  }
.Ltmp0:
0xab: {  	v5 =	vadd.f32 v5, v13;
	v13 =	vadd.f32 v3, v6;
	v3 =	vld [tilespmem:s15+$0x8300];
	(pc) =	sbr.rel @p0 .LBB2_3-.Ltmp0, $4  }
0xac: {  	v8 =	vadd.f32 v14, v8;
	v7 =	vadd.f32 v15, v4;
	v4 =	vld [tilespmem:s15+$0xA300];
	v6 =	vmul.f32 $2.000000030e-01, v10  }
0xad: {  	v10 =	vadd.f32 v21, v5;
	v5 =	vmul.f32 $2.000000030e-01, v13;
	v13 =	vld [tilespmem:s15+$0x6400]  }
0xae: {  	v15 =	vadd.f32 v17, v8;
	v14 =	vld [tilespmem:s15+$0x6380]  }
0xaf: {  	v8 =	vmul.f32 $2.000000030e-01, v10;
	v10 =	vld [tilespmem:s15+$0x4400]  }
0xb0: {  	v11 =	vadd.f32 v11, v15;
	v48 =	vld [tilespmem:s15+$0x8180]  }
0xb1: {  	v16 =	vld [tilespmem:s15+$0x8100]  }
0xb2: {  	v17 =	vld [tilespmem:s15+$0x4300];
	v11 =	vmul.f32 $2.000000030e-01, v11  }
0xb3: {  	v18 =	vld [tilespmem:s15+$0x4280]  }
0xb4: {  	v49 =	vld [tilespmem:s15+$0x2080];
	v11 =	vadd.f32 v11, v12  }
0xb5: {  	v50 =	vld [tilespmem:s15+$0x4380]  }
0xb6: {  	s14 =	sor.u32 $0x380, s16;
	v51 =	vld [tilespmem:s15+$0x2100];
	[tilespmem:s15+$0xC080] =	vst v11  }
0xb7: {  	v52 =	vld [tilespmem:s14+$0x80]  }
0xb8: {  	v53 =	vld [tilespmem:s15+$0xA380];
	v13 =	vadd.f32 v13, v14  }
0xb9: {  	v19 =	vld [tilespmem:s15+$0xA180];
	v17 =	vadd.f32 v17, v18  }
0xba: {  	v54 =	vld [tilespmem:s15+$0x6080];
	v9 =	vadd.f32 v9, v13  }
0xbb: {  	v55 =	vld [tilespmem:s15+$0xA200];
	v14 =	vadd.f32 v50, v17  }
0xbc: {  	v20 =	vld [tilespmem:s15+$0x8280];
	v9 =	vadd.f32 v16, v9;
	v7 =	vadd.f32 v52, v7  }
0xbd: {  	v56 =	vld [tilespmem:s15+$0x8200];
	v10 =	vadd.f32 v10, v14  }
0xbe: {  	v57 =	vld [tilespmem:s15+$0xA280];
	v9 =	vadd.f32 v48, v9;
	v7 =	vadd.f32 v49, v7  }
0xbf: {  	v58 =	vld [tilespmem:s15+$0xA100];
	v8 =	vadd.f32 v8, v19;
	v59 =	vadd.f32 v54, v10  }
0xc0: {  	v4 =	vadd.f32 v6, v4;
	v9 =	vmul.f32 $2.000000030e-01, v9;
	v7 =	vadd.f32 v51, v7  }
0xc1: {  	v61 =	vld [tilespmem:s15+$0x8380];
	v5 =	vadd.f32 v5, v55;
	[tilespmem:s15+$0xC180] =	vst v8;
	v60 =	vmul.f32 $2.000000030e-01, v59  }
0xc2: {  	v62 =	vadd.f32 v20, v56;
	[tilespmem:s15+$0xC300] =	vst v4;
	v9 =	vadd.f32 v9, v53;
	v7 =	vmul.f32 $2.000000030e-01, v7  }
0xc3: {  	v63 =	vld [tilespmem:s15+$0x8400];
	[tilespmem:s15+$0xC200] =	vst v5;
	v4 =	vadd.f32 v60, v57  }
0xc4: {  	v3 =	vadd.f32 v3, v62;
	[tilespmem:s15+$0xC380] =	vst v9;
	v7 =	vadd.f32 v7, v58  }
0xc5: {  	[tilespmem:s15+$0xC280] =	vst v4  }
0xc6: {  	v3 =	vadd.f32 v61, v3;
	[tilespmem:s15+$0xC100] =	vst v7  }
0xc7: {  	v4 =	vld [tilespmem:s14+$0xA080]  }
0xc8: {  	v3 =	vadd.f32 v63, v3;
	_ =	sdelay $0x1  }
0xc9: {  	v3 =	vmul.f32 $2.000000030e-01, v3;
	_ =	sdelay $0x1  }
0xca: {  	s4 =	sadd.s32 $0x1, s4;
	v3 =	vadd.f32 v3, v4  }
0xcb: {  	s19 =	rddreg [dreg:$0x3];
	p0 =	sne.s32 s4, $0x10  }
.Ltmp1:
0xcc: {  	s20 =	simm.s32 $0x0;
	s13 =	sadd.s32 s19, s13;
	[tilespmem:s14+$0xC080] =	vst v3;
	(pc) =	sbr.rel @p0 .LBB2_2-.Ltmp1, $4  }
0xcd: {  	[hbm4b:s13+s20] =	stream.linear.scatter [tilespmem:s3], [sflag:$0x2], $0x2000, $0x38;
	[tilespmem:$0xE080] =	vst v63  }
0xce: {  	_ =	swait.ge [sflag:s12], $0x2000  }
0xcf: {  	[sflag:s12] =	ssyncset.done $0x0  }
0xd0: {  	[sflag:s12] =	ssyncadd.s32 $0xFFFFE000  }
0xd1: {  	s13 =	rddreg [dreg:$0x6]  }
0xd2: {  	s4 =	rddreg [dreg:$0x5];
	s13 =	sadd.s32 $0x1, s13  }
0xd3: {  	p0 =	sne.s32 s13, s4  }
.Ltmp2:
0xd4: {  	_ = 	snop;
	(pc) =	sbr.rel @p0 .LBB2_1-.Ltmp2, $1  }
0xd5: {  	_ =	sdelay $0x3  }
0xd6: {  	_ =	sfence.sel $0x180000  }
0xd7: {  	[bflag:$0x0] =	sbarrier.arrive $0xFFFF  }
0xd8: {  	_ =	strace $0x90000047  }
0xd9: {  	s0 =	stileid.u32;
	[bflag:$0x2] =	sbarrier.arrive $0xFFFF  }
0xda: {  	p0 =	sne.s32 s0, $0x0;
	s0 =	rddreg [dreg:$0x4]  }
0xdb: {  	s0 =	sadd.s32 @!p0 $0x100000, s0  }
0xdc: {  	[sflag:s0] =	ssyncadd.tile.s32 @!p0 $0x1;
	_ =	shalt  }
.Lfunc_end2:
_tile_overlayer_lowered:
.L_overlay_start_2:
0xdd: {  	(tag) =	ssettag $0x2  }
0xde: {  	s0 =	rddreg [dreg:$0x0];
	s2 =	stileid.u32  }
0xdf: {  	s1 =	rddreg [dreg:$0x1];
	p0 =	sne.s32 s2, $0x0  }
0xe0: {  	s3 =	rddreg [dreg:$0x2];
	[bflag:$0x3] =	sbarrier.arrive $0xFFFF;
	s2 =	simm.s32 @!p0 $0x1C02  }
0xe1: {  	[timem:s3], [sflag:s2] =	dma.local @!p0 [hbm:s0], s1  }
0xe2: {  	s0 =	simm.s32 @!p0 $0x2  }
0xe3: {  	_ =	swait.ge @!p0 [sflag:s0], s1  }
0xe4: {  	s1 =	ssub.s32 @!p0 $0x0, s1;
	[sflag:s0] =	ssyncset.done @!p0 $0x0  }
0xe5: {  	[sflag:s0] =	ssyncadd.s32 @!p0 s1  }
0xe6: {  	[bflag:$0x3] =	sbarrier.arrive $0xFFFF  }
0xe7: {  	_ =	shalt  }

</sc_bundles>
